<compile_context>
chip_gen: v7x
topology: tpu7x:2x2x1
jax: 0.10.2.dev20260603
libtpu: 0.0.44.dev20260713+nightly
codegen_flags: <defaults>
</compile_context>

<pallas_src>
import functools

import jax
import jax.numpy as jnp
from jax import lax
from jax.experimental import pallas as pl
from jax.experimental.pallas import tpu as pltpu
from jax.experimental.pallas import tpu_sc as plsc

NC = 2
NS = 16
L = 16
NW = NC * NS

TOKENS = 8192
D = 768
R = TOKENS // NW
C = 64
NCH = R // C
DL = D // L

_mesh = plsc.VectorSubcoreMesh(core_axis_name="c", subcore_axis_name="s")


@functools.partial(
    pl.kernel,
    out_type=(
        jax.ShapeDtypeStruct((TOKENS, D), jnp.float32),
        jax.ShapeDtypeStruct((TOKENS,), jnp.float32),
    ),
    mesh=_mesh,
    scratch_types=[
        pltpu.VMEM((R,), jnp.int32),
        pltpu.VMEM((R,), jnp.int32),
        pltpu.VMEM((C, D), jnp.float32),
        pltpu.VMEM((C, D), jnp.float32),
        pltpu.VMEM((R,), jnp.float32),
        pltpu.SemaphoreType.DMA,
    ],
)
def _emb_kernel(ids_hbm, pos_hbm, am_hbm, wte_hbm, wpe_hbm, out_hbm, mask_hbm,
                tok_idx, pos_idx, tok_rows, pos_rows, am_v, sem):
    wid = lax.axis_index("s") * NC + lax.axis_index("c")
    base = wid * R

    pltpu.sync_copy(ids_hbm.at[pl.ds(base, R)], tok_idx)
    pltpu.sync_copy(pos_hbm.at[pl.ds(base, R)], pos_idx)

    @pl.loop(0, NCH)
    def _chunk(i):
        sl = pl.ds(i * C, C)
        h1 = pltpu.async_copy(wte_hbm.at[tok_idx.at[sl]], tok_rows, sem)
        h2 = pltpu.async_copy(wpe_hbm.at[pos_idx.at[sl]], pos_rows, sem)

        @pl.when(i == 0)
        def _():
            pltpu.sync_copy(am_hbm.at[pl.ds(base, R)], am_v)

            @pl.loop(0, R // L)
            def _mask(j):
                s = pl.ds(j * L, L)
                am_v[s] = (am_v[s] - 1.0) * 10000.0

            pltpu.sync_copy(am_v, mask_hbm.at[pl.ds(base, R)])

        h1.wait()
        h2.wait()

        @pl.loop(0, C)
        def _row(r):
            for j in range(DL):
                s = pl.ds(j * L, L)
                tok_rows[r, s] = tok_rows[r, s] + pos_rows[r, s]

        pltpu.sync_copy(tok_rows, out_hbm.at[pl.ds(base + i * C, C)])


def kernel(input_ids, attention_mask, position_ids, wte, wpe):
    B, S = input_ids.shape
    ids = input_ids.reshape(-1).astype(jnp.int32)
    pos = position_ids.reshape(-1).astype(jnp.int32)
    am = attention_mask.reshape(-1)
    hidden, mask = _emb_kernel(ids, pos, am, wte, wpe)
    return (hidden.reshape(B, S, D), mask.reshape(1, 1, B, S))

# --- scband reference (transcript-rebuilt; emitter-appended) ---
"""Pipeline reference for scband-emb-wrapper-65695819760405 (READ-ONLY COPY).

The authoritative reference and input builder live on the scoring server;
editing this copy changes nothing except your own understanding.
"""

import jax, jax.numpy as jnp
import numpy as np

VOCAB = 50257
N_POS = 2048
D = 768
B = 4
S = 2048

def setup_inputs(seed: int = 0) -> dict:
    key = jax.random.key(seed)
    k1, k2, k3, k4 = jax.random.split(key, 4)
    input_ids = jax.random.randint(k1, (B, S), 0, VOCAB, dtype=jnp.int64)
    attention_mask = jnp.ones((B, S), dtype=jnp.float32)
    position_ids = jax.random.randint(k2, (B, S), 0, N_POS, dtype=jnp.int64)
    wte = jax.random.normal(k3, (VOCAB, D), dtype=jnp.float32) * 0.02
    wpe = jax.random.normal(k4, (N_POS, D), dtype=jnp.float32) * 0.02
    return {"input_ids": input_ids, "attention_mask": attention_mask, "position_ids": position_ids, "wte": wte, "wpe": wpe}

def reference(input_ids, attention_mask, position_ids, wte, wpe):
    inputs_embeds = jnp.take(wte, input_ids, axis=0)
    position_embeds = jnp.take(wpe, position_ids, axis=0)
    hidden_states = inputs_embeds + position_embeds
    am = attention_mask[None, None, ...]
    extended_attention_mask = (1.0 - am) * -10000.0
    return (hidden_states, extended_attention_mask)

if __name__ == "__main__":
    import jax
    _d = setup_inputs()
    print(jax.jit(kernel)(*tuple(_d.values())))

</pallas_src>

<mosaic_0001>
#map = affine_map<(d0, d1) -> (0)>
#map1 = affine_map<(d0, d1) -> (0, 0)>
module attributes {stable_mosaic.version = 14 : i64} {
  func.func @_emb_kernel(%arg0: i32, %arg1: i32, %arg2: memref<8192xi32, #tpu.memory_space<hbm>>, %arg3: memref<8192xi32, #tpu.memory_space<hbm>>, %arg4: memref<8192xf32, #tpu.memory_space<hbm>>, %arg5: memref<50257x768xf32, #tpu.memory_space<hbm>>, %arg6: memref<2048x768xf32, #tpu.memory_space<hbm>>, %arg7: memref<8192x768xf32, #tpu.memory_space<hbm>>, %arg8: memref<8192xf32, #tpu.memory_space<hbm>>, %arg9: memref<256xi32, #tpu.memory_space<vmem>>, %arg10: memref<256xi32, #tpu.memory_space<vmem>>, %arg11: memref<64x768xf32, #tpu.memory_space<vmem>>, %arg12: memref<64x768xf32, #tpu.memory_space<vmem>>, %arg13: memref<256xf32, #tpu.memory_space<vmem>>, %arg14: memref<!tpu.dma_semaphore, #tpu.memory_space<semaphore_mem>>) attributes {dimension_semantics = [#tpu.dimension_semantics<core_parallel>, #tpu.dimension_semantics<subcore_parallel>], iteration_bounds = array<i64: 2, 16>, scalar_prefetch = 0 : i64, scratch_operands = 6 : i64, tpu.core_type = #tpu.core_type<sc_vector_subcore>, window_params = [{transform_indices = #map}, {transform_indices = #map}, {transform_indices = #map}, {transform_indices = #map1}, {transform_indices = #map1}, {transform_indices = #map1}, {transform_indices = #map}]} {
    %mul3A = arith.constant 2 : i32
    %mul3A_0 = arith.muli %arg1, %mul3A : i32
    %add3A = arith.addi %mul3A_0, %arg0 : i32
    %mul3A_1 = arith.constant 256 : i32
    %mul3A_2 = arith.muli %add3A, %mul3A_1 : i32
    "tpu.region"() ({
      %run_scoped3A = tpu.sem_alloc : memref<!tpu.dma_semaphore, #tpu.memory_space<semaphore_mem>>
      %dma_start3A = tpu.memref_slice %arg2[%mul3A_2] : memref<8192xi32, #tpu.memory_space<hbm>> -> memref<256xi32, #tpu.memory_space<hbm>>
      %dma_start3A_7 = tpu.memref_slice %arg2[%mul3A_2] : memref<8192xi32, #tpu.memory_space<hbm>> -> memref<256xi32, #tpu.memory_space<hbm>>
      tpu.enqueue_dma source(%dma_start3A_7 : memref<256xi32, #tpu.memory_space<hbm>>) target(%arg9 : memref<256xi32, #tpu.memory_space<vmem>>) target_semaphore(%run_scoped3A : memref<!tpu.dma_semaphore, #tpu.memory_space<semaphore_mem>>)
      %dma_wait3A = tpu.memref_slice %arg2[%mul3A_2] : memref<8192xi32, #tpu.memory_space<hbm>> -> memref<256xi32, #tpu.memory_space<hbm>>
      %dma_wait3A_8 = tpu.memref_slice %arg2[%mul3A_2] : memref<8192xi32, #tpu.memory_space<hbm>> -> memref<256xi32, #tpu.memory_space<hbm>>
      tpu.wait_dma2 semaphore(%run_scoped3A : memref<!tpu.dma_semaphore, #tpu.memory_space<semaphore_mem>>) src(%dma_wait3A_8 : memref<256xi32, #tpu.memory_space<hbm>>) dst(%arg9 : memref<256xi32, #tpu.memory_space<vmem>>)
      tpu.yield
    }) : () -> ()
    "tpu.region"() ({
      %run_scoped3A = tpu.sem_alloc : memref<!tpu.dma_semaphore, #tpu.memory_space<semaphore_mem>>
      %dma_start3A = tpu.memref_slice %arg3[%mul3A_2] : memref<8192xi32, #tpu.memory_space<hbm>> -> memref<256xi32, #tpu.memory_space<hbm>>
      %dma_start3A_7 = tpu.memref_slice %arg3[%mul3A_2] : memref<8192xi32, #tpu.memory_space<hbm>> -> memref<256xi32, #tpu.memory_space<hbm>>
      tpu.enqueue_dma source(%dma_start3A_7 : memref<256xi32, #tpu.memory_space<hbm>>) target(%arg10 : memref<256xi32, #tpu.memory_space<vmem>>) target_semaphore(%run_scoped3A : memref<!tpu.dma_semaphore, #tpu.memory_space<semaphore_mem>>)
      %dma_wait3A = tpu.memref_slice %arg3[%mul3A_2] : memref<8192xi32, #tpu.memory_space<hbm>> -> memref<256xi32, #tpu.memory_space<hbm>>
      %dma_wait3A_8 = tpu.memref_slice %arg3[%mul3A_2] : memref<8192xi32, #tpu.memory_space<hbm>> -> memref<256xi32, #tpu.memory_space<hbm>>
      tpu.wait_dma2 semaphore(%run_scoped3A : memref<!tpu.dma_semaphore, #tpu.memory_space<semaphore_mem>>) src(%dma_wait3A_8 : memref<256xi32, #tpu.memory_space<hbm>>) dst(%arg10 : memref<256xi32, #tpu.memory_space<vmem>>)
      tpu.yield
    }) : () -> ()
    %scan3A = arith.constant 0 : i32
    %scan3A_3 = arith.constant 4 : i32
    %scan3A_4 = arith.addi %scan3A, %scan3A_3 : i32
    %scan3A_5 = arith.constant 1 : i32
    scf.for %scan3A_7 = %scan3A to %scan3A_4 step %scan3A_5  : i32 {
      %mul3A_8 = arith.constant 1 : i32
      %mul3A_9 = arith.muli %scan3A_7, %mul3A_8 : i32
      %add3A_10 = arith.constant 0 : i32
      %add3A_11 = arith.addi %add3A_10, %mul3A_9 : i32
      %mul3A_12 = arith.constant 64 : i32
      %mul3A_13 = arith.muli %add3A_11, %mul3A_12 : i32
      %dma_start3A = tpu.memref_slice %arg9[%mul3A_13] : memref<256xi32, #tpu.memory_space<vmem>> -> memref<64xi32, #tpu.memory_space<vmem>>
      %dma_start3A_14 = arith.constant 0 : i32
      %dma_start3A_15 = arith.constant 0 : i32
      %dma_start3A_16 = tpu.memref_slice %arg5[%dma_start3A_14, %dma_start3A_15] : memref<50257x768xf32, #tpu.memory_space<hbm>> -> memref<50257x768xf32, #tpu.memory_space<hbm>>
      tpu.enqueue_indirect_dma source(%dma_start3A_16 : memref<50257x768xf32, #tpu.memory_space<hbm>>) target(%arg11 : memref<64x768xf32, #tpu.memory_space<vmem>>) offsets(%dma_start3A : memref<64xi32, #tpu.memory_space<vmem>>) semaphore(%arg14 : memref<!tpu.dma_semaphore, #tpu.memory_space<semaphore_mem>>)
      %dma_start3A_17 = tpu.memref_slice %arg10[%mul3A_13] : memref<256xi32, #tpu.memory_space<vmem>> -> memref<64xi32, #tpu.memory_space<vmem>>
      %dma_start3A_18 = arith.constant 0 : i32
      %dma_start3A_19 = arith.constant 0 : i32
      %dma_start3A_20 = tpu.memref_slice %arg6[%dma_start3A_18, %dma_start3A_19] : memref<2048x768xf32, #tpu.memory_space<hbm>> -> memref<2048x768xf32, #tpu.memory_space<hbm>>
      tpu.enqueue_indirect_dma source(%dma_start3A_20 : memref<2048x768xf32, #tpu.memory_space<hbm>>) target(%arg12 : memref<64x768xf32, #tpu.memory_space<vmem>>) offsets(%dma_start3A_17 : memref<64xi32, #tpu.memory_space<vmem>>) semaphore(%arg14 : memref<!tpu.dma_semaphore, #tpu.memory_space<semaphore_mem>>)
      %eq3A = arith.constant 0 : i32
      %eq3A_21 = arith.cmpi eq, %add3A_11, %eq3A : i32
      %convert_element_type3A = arith.extui %eq3A_21 : i1 to i32
      %cond3A = arith.constant 0 : i32
      %cond3A_22 = arith.cmpi ne, %convert_element_type3A, %cond3A : i32
      scf.if %cond3A_22 {
        "tpu.region"() ({
          %run_scoped3A = tpu.sem_alloc : memref<!tpu.dma_semaphore, #tpu.memory_space<semaphore_mem>>
          %dma_start3A_43 = tpu.memref_slice %arg4[%mul3A_2] : memref<8192xf32, #tpu.memory_space<hbm>> -> memref<256xf32, #tpu.memory_space<hbm>>
          %dma_start3A_44 = tpu.memref_slice %arg4[%mul3A_2] : memref<8192xf32, #tpu.memory_space<hbm>> -> memref<256xf32, #tpu.memory_space<hbm>>
          tpu.enqueue_dma source(%dma_start3A_44 : memref<256xf32, #tpu.memory_space<hbm>>) target(%arg13 : memref<256xf32, #tpu.memory_space<vmem>>) target_semaphore(%run_scoped3A : memref<!tpu.dma_semaphore, #tpu.memory_space<semaphore_mem>>)
          %dma_wait3A_45 = tpu.memref_slice %arg4[%mul3A_2] : memref<8192xf32, #tpu.memory_space<hbm>> -> memref<256xf32, #tpu.memory_space<hbm>>
          %dma_wait3A_46 = tpu.memref_slice %arg4[%mul3A_2] : memref<8192xf32, #tpu.memory_space<hbm>> -> memref<256xf32, #tpu.memory_space<hbm>>
          tpu.wait_dma2 semaphore(%run_scoped3A : memref<!tpu.dma_semaphore, #tpu.memory_space<semaphore_mem>>) src(%dma_wait3A_46 : memref<256xf32, #tpu.memory_space<hbm>>) dst(%arg13 : memref<256xf32, #tpu.memory_space<vmem>>)
          tpu.yield
        }) : () -> ()
        %scan3A_38 = arith.constant 0 : i32
        %scan3A_39 = arith.constant 16 : i32
        %scan3A_40 = arith.addi %scan3A_38, %scan3A_39 : i32
        %scan3A_41 = arith.constant 1 : i32
        scf.for %scan3A_43 = %scan3A_38 to %scan3A_40 step %scan3A_41  : i32 {
          %mul3A_44 = arith.constant 1 : i32
          %mul3A_45 = arith.muli %scan3A_43, %mul3A_44 : i32
          %add3A_46 = arith.constant 0 : i32
          %add3A_47 = arith.addi %add3A_46, %mul3A_45 : i32
          %mul3A_48 = arith.constant 16 : i32
          %mul3A_49 = arith.muli %add3A_47, %mul3A_48 : i32
          %get3A = arith.index_cast %mul3A_49 : i32 to index
          %get3A_50 = tpu.vector_load %arg13[%get3A] {strides = array<i32>} : memref<256xf32, #tpu.memory_space<vmem>>, vector<16xf32>,
          %get3A_51 = vector.shape_cast %get3A_50 : vector<16xf32> to vector<16xf32>
          %sub3A = arith.constant 1.000000e+00 : f32
          %sub3A_52 = vector.broadcast %sub3A : f32 to vector<16xf32>
          %sub3A_53 = arith.subf %get3A_51, %sub3A_52 : vector<16xf32>
          %mul3A_54 = arith.constant 1.000000e+04 : f32
          %mul3A_55 = vector.broadcast %mul3A_54 : f32 to vector<16xf32>
          %mul3A_56 = arith.mulf %sub3A_53, %mul3A_55 : vector<16xf32>
          %swap3A = arith.index_cast %mul3A_49 : i32 to index
          %swap3A_57 = tpu.vector_load %arg13[%swap3A] {strides = array<i32>} : memref<256xf32, #tpu.memory_space<vmem>>, vector<16xf32>,
          %swap3A_58 = vector.shape_cast %swap3A_57 : vector<16xf32> to vector<16xf32>
          %swap3A_59 = vector.shape_cast %mul3A_56 : vector<16xf32> to vector<16xf32>
          tpu.vector_store %arg13[%swap3A], %swap3A_59 {strides = array<i32>} : memref<256xf32, #tpu.memory_space<vmem>>, vector<16xf32>,
        }
        %scan3A_42 = arith.constant 16 : i32
        "tpu.region"() ({
          %run_scoped3A = tpu.sem_alloc : memref<!tpu.dma_semaphore, #tpu.memory_space<semaphore_mem>>
          %dma_start3A_43 = tpu.memref_slice %arg8[%mul3A_2] : memref<8192xf32, #tpu.memory_space<hbm>> -> memref<256xf32, #tpu.memory_space<hbm>>
          %dma_start3A_44 = tpu.memref_slice %arg8[%mul3A_2] : memref<8192xf32, #tpu.memory_space<hbm>> -> memref<256xf32, #tpu.memory_space<hbm>>
          tpu.enqueue_dma source(%arg13 : memref<256xf32, #tpu.memory_space<vmem>>) target(%dma_start3A_44 : memref<256xf32, #tpu.memory_space<hbm>>) target_semaphore(%run_scoped3A : memref<!tpu.dma_semaphore, #tpu.memory_space<semaphore_mem>>)
          %dma_wait3A_45 = tpu.memref_slice %arg8[%mul3A_2] : memref<8192xf32, #tpu.memory_space<hbm>> -> memref<256xf32, #tpu.memory_space<hbm>>
          %dma_wait3A_46 = tpu.memref_slice %arg8[%mul3A_2] : memref<8192xf32, #tpu.memory_space<hbm>> -> memref<256xf32, #tpu.memory_space<hbm>>
          tpu.wait_dma2 semaphore(%run_scoped3A : memref<!tpu.dma_semaphore, #tpu.memory_space<semaphore_mem>>) src(%arg13 : memref<256xf32, #tpu.memory_space<vmem>>) dst(%dma_wait3A_46 : memref<256xf32, #tpu.memory_space<hbm>>)
          tpu.yield
        }) : () -> ()
      } else {
      }
      %dma_wait3A = tpu.memref_slice %arg9[%mul3A_13] : memref<256xi32, #tpu.memory_space<vmem>> -> memref<64xi32, #tpu.memory_space<vmem>>
      %dma_wait3A_23 = arith.constant 0 : i32
      %dma_wait3A_24 = arith.constant 0 : i32
      %dma_wait3A_25 = tpu.memref_slice %arg5[%dma_wait3A_23, %dma_wait3A_24] : memref<50257x768xf32, #tpu.memory_space<hbm>> -> memref<50257x768xf32, #tpu.memory_space<hbm>>
      tpu.wait_indirect_dma semaphore(%arg14 : memref<!tpu.dma_semaphore, #tpu.memory_space<semaphore_mem>>) src(%dma_wait3A_25 : memref<50257x768xf32, #tpu.memory_space<hbm>>) dst(%arg11 : memref<64x768xf32, #tpu.memory_space<vmem>>)
      %dma_wait3A_26 = tpu.memref_slice %arg10[%mul3A_13] : memref<256xi32, #tpu.memory_space<vmem>> -> memref<64xi32, #tpu.memory_space<vmem>>
      %dma_wait3A_27 = arith.constant 0 : i32
      %dma_wait3A_28 = arith.constant 0 : i32
      %dma_wait3A_29 = tpu.memref_slice %arg6[%dma_wait3A_27, %dma_wait3A_28] : memref<2048x768xf32, #tpu.memory_space<hbm>> -> memref<2048x768xf32, #tpu.memory_space<hbm>>
      tpu.wait_indirect_dma semaphore(%arg14 : memref<!tpu.dma_semaphore, #tpu.memory_space<semaphore_mem>>) src(%dma_wait3A_29 : memref<2048x768xf32, #tpu.memory_space<hbm>>) dst(%arg12 : memref<64x768xf32, #tpu.memory_space<vmem>>)
      %scan3A_30 = arith.constant 0 : i32
      %scan3A_31 = arith.constant 64 : i32
      %scan3A_32 = arith.addi %scan3A_30, %scan3A_31 : i32
      %scan3A_33 = arith.constant 1 : i32
      scf.for %scan3A_38 = %scan3A_30 to %scan3A_32 step %scan3A_33  : i32 {
        %mul3A_39 = arith.constant 1 : i32
        %mul3A_40 = arith.muli %scan3A_38, %mul3A_39 : i32
        %add3A_41 = arith.constant 0 : i32
        %add3A_42 = arith.addi %add3A_41, %mul3A_40 : i32
        %get3A = arith.index_cast %add3A_42 : i32 to index
        %get3A_43 = arith.constant 0 : index
        %get3A_44 = tpu.vector_load %arg11[%get3A, %get3A_43] {strides = array<i32>} : memref<64x768xf32, #tpu.memory_space<vmem>>, vector<1x16xf32>,
        %get3A_45 = vector.shape_cast %get3A_44 : vector<1x16xf32> to vector<16xf32>
        %get3A_46 = arith.index_cast %add3A_42 : i32 to index
        %get3A_47 = arith.constant 0 : index
        %get3A_48 = tpu.vector_load %arg12[%get3A_46, %get3A_47] {strides = array<i32>} : memref<64x768xf32, #tpu.memory_space<vmem>>, vector<1x16xf32>,
        %get3A_49 = vector.shape_cast %get3A_48 : vector<1x16xf32> to vector<16xf32>
        %add3A_50 = arith.addf %get3A_45, %get3A_49 : vector<16xf32>
        %swap3A = arith.index_cast %add3A_42 : i32 to index
        %swap3A_51 = arith.constant 0 : index
        %swap3A_52 = tpu.vector_load %arg11[%swap3A, %swap3A_51] {strides = array<i32>} : memref<64x768xf32, #tpu.memory_space<vmem>>, vector<1x16xf32>,
        %swap3A_53 = vector.shape_cast %swap3A_52 : vector<1x16xf32> to vector<16xf32>
        %swap3A_54 = vector.shape_cast %add3A_50 : vector<16xf32> to vector<1x16xf32>
        tpu.vector_store %arg11[%swap3A, %swap3A_51], %swap3A_54 {strides = array<i32>} : memref<64x768xf32, #tpu.memory_space<vmem>>, vector<1x16xf32>,
        %get3A_55 = arith.index_cast %add3A_42 : i32 to index
        %get3A_56 = arith.constant 16 : index
        %get3A_57 = tpu.vector_load %arg11[%get3A_55, %get3A_56] {strides = array<i32>} : memref<64x768xf32, #tpu.memory_space<vmem>>, vector<1x16xf32>,
        %get3A_58 = vector.shape_cast %get3A_57 : vector<1x16xf32> to vector<16xf32>
        %get3A_59 = arith.index_cast %add3A_42 : i32 to index
        %get3A_60 = arith.constant 16 : index
        %get3A_61 = tpu.vector_load %arg12[%get3A_59, %get3A_60] {strides = array<i32>} : memref<64x768xf32, #tpu.memory_space<vmem>>, vector<1x16xf32>,
        %get3A_62 = vector.shape_cast %get3A_61 : vector<1x16xf32> to vector<16xf32>
        %add3A_63 = arith.addf %get3A_58, %get3A_62 : vector<16xf32>
        %swap3A_64 = arith.index_cast %add3A_42 : i32 to index
        %swap3A_65 = arith.constant 16 : index
        %swap3A_66 = tpu.vector_load %arg11[%swap3A_64, %swap3A_65] {strides = array<i32>} : memref<64x768xf32, #tpu.memory_space<vmem>>, vector<1x16xf32>,
        %swap3A_67 = vector.shape_cast %swap3A_66 : vector<1x16xf32> to vector<16xf32>
        %swap3A_68 = vector.shape_cast %add3A_63 : vector<16xf32> to vector<1x16xf32>
        tpu.vector_store %arg11[%swap3A_64, %swap3A_65], %swap3A_68 {strides = array<i32>} : memref<64x768xf32, #tpu.memory_space<vmem>>, vector<1x16xf32>,
        %get3A_69 = arith.index_cast %add3A_42 : i32 to index
        %get3A_70 = arith.constant 32 : index
        %get3A_71 = tpu.vector_load %arg11[%get3A_69, %get3A_70] {strides = array<i32>} : memref<64x768xf32, #tpu.memory_space<vmem>>, vector<1x16xf32>,
        %get3A_72 = vector.shape_cast %get3A_71 : vector<1x16xf32> to vector<16xf32>
        %get3A_73 = arith.index_cast %add3A_42 : i32 to index
        %get3A_74 = arith.constant 32 : index
        %get3A_75 = tpu.vector_load %arg12[%get3A_73, %get3A_74] {strides = array<i32>} : memref<64x768xf32, #tpu.memory_space<vmem>>, vector<1x16xf32>,
        %get3A_76 = vector.shape_cast %get3A_75 : vector<1x16xf32> to vector<16xf32>
        %add3A_77 = arith.addf %get3A_72, %get3A_76 : vector<16xf32>
        %swap3A_78 = arith.index_cast %add3A_42 : i32 to index
        %swap3A_79 = arith.constant 32 : index
        %swap3A_80 = tpu.vector_load %arg11[%swap3A_78, %swap3A_79] {strides = array<i32>} : memref<64x768xf32, #tpu.memory_space<vmem>>, vector<1x16xf32>,
        %swap3A_81 = vector.shape_cast %swap3A_80 : vector<1x16xf32> to vector<16xf32>
        %swap3A_82 = vector.shape_cast %add3A_77 : vector<16xf32> to vector<1x16xf32>
        tpu.vector_store %arg11[%swap3A_78, %swap3A_79], %swap3A_82 {strides = array<i32>} : memref<64x768xf32, #tpu.memory_space<vmem>>, vector<1x16xf32>,
        %get3A_83 = arith.index_cast %add3A_42 : i32 to index
        %get3A_84 = arith.constant 48 : index
        %get3A_85 = tpu.vector_load %arg11[%get3A_83, %get3A_84] {strides = array<i32>} : memref<64x768xf32, #tpu.memory_space<vmem>>, vector<1x16xf32>,
        %get3A_86 = vector.shape_cast %get3A_85 : vector<1x16xf32> to vector<16xf32>
        %get3A_87 = arith.index_cast %add3A_42 : i32 to index
        %get3A_88 = arith.constant 48 : index
        %get3A_89 = tpu.vector_load %arg12[%get3A_87, %get3A_88] {strides = array<i32>} : memref<64x768xf32, #tpu.memory_space<vmem>>, vector<1x16xf32>,
        %get3A_90 = vector.shape_cast %get3A_89 : vector<1x16xf32> to vector<16xf32>
        %add3A_91 = arith.addf %get3A_86, %get3A_90 : vector<16xf32>
        %swap3A_92 = arith.index_cast %add3A_42 : i32 to index
        %swap3A_93 = arith.constant 48 : index
        %swap3A_94 = tpu.vector_load %arg11[%swap3A_92, %swap3A_93] {strides = array<i32>} : memref<64x768xf32, #tpu.memory_space<vmem>>, vector<1x16xf32>,
        %swap3A_95 = vector.shape_cast %swap3A_94 : vector<1x16xf32> to vector<16xf32>
        %swap3A_96 = vector.shape_cast %add3A_91 : vector<16xf32> to vector<1x16xf32>
        tpu.vector_store %arg11[%swap3A_92, %swap3A_93], %swap3A_96 {strides = array<i32>} : memref<64x768xf32, #tpu.memory_space<vmem>>, vector<1x16xf32>,
        %get3A_97 = arith.index_cast %add3A_42 : i32 to index
        %get3A_98 = arith.constant 64 : index
        %get3A_99 = tpu.vector_load %arg11[%get3A_97, %get3A_98] {strides = array<i32>} : memref<64x768xf32, #tpu.memory_space<vmem>>, vector<1x16xf32>,
        %get3A_100 = vector.shape_cast %get3A_99 : vector<1x16xf32> to vector<16xf32>
        %get3A_101 = arith.index_cast %add3A_42 : i32 to index
        %get3A_102 = arith.constant 64 : index
        %get3A_103 = tpu.vector_load %arg12[%get3A_101, %get3A_102] {strides = array<i32>} : memref<64x768xf32, #tpu.memory_space<vmem>>, vector<1x16xf32>,
        %get3A_104 = vector.shape_cast %get3A_103 : vector<1x16xf32> to vector<16xf32>
        %add3A_105 = arith.addf %get3A_100, %get3A_104 : vector<16xf32>
        %swap3A_106 = arith.index_cast %add3A_42 : i32 to index
        %swap3A_107 = arith.constant 64 : index
        %swap3A_108 = tpu.vector_load %arg11[%swap3A_106, %swap3A_107] {strides = array<i32>} : memref<64x768xf32, #tpu.memory_space<vmem>>, vector<1x16xf32>,
        %swap3A_109 = vector.shape_cast %swap3A_108 : vector<1x16xf32> to vector<16xf32>
        %swap3A_110 = vector.shape_cast %add3A_105 : vector<16xf32> to vector<1x16xf32>
        tpu.vector_store %arg11[%swap3A_106, %swap3A_107], %swap3A_110 {strides = array<i32>} : memref<64x768xf32, #tpu.memory_space<vmem>>, vector<1x16xf32>,
        %get3A_111 = arith.index_cast %add3A_42 : i32 to index
        %get3A_112 = arith.constant 80 : index
        %get3A_113 = tpu.vector_load %arg11[%get3A_111, %get3A_112] {strides = array<i32>} : memref<64x768xf32, #tpu.memory_space<vmem>>, vector<1x16xf32>,
        %get3A_114 = vector.shape_cast %get3A_113 : vector<1x16xf32> to vector<16xf32>
        %get3A_115 = arith.index_cast %add3A_42 : i32 to index
        %get3A_116 = arith.constant 80 : index
        %get3A_117 = tpu.vector_load %arg12[%get3A_115, %get3A_116] {strides = array<i32>} : memref<64x768xf32, #tpu.memory_space<vmem>>, vector<1x16xf32>,
        %get3A_118 = vector.shape_cast %get3A_117 : vector<1x16xf32> to vector<16xf32>
        %add3A_119 = arith.addf %get3A_114, %get3A_118 : vector<16xf32>
        %swap3A_120 = arith.index_cast %add3A_42 : i32 to index
        %swap3A_121 = arith.constant 80 : index
        %swap3A_122 = tpu.vector_load %arg11[%swap3A_120, %swap3A_121] {strides = array<i32>} : memref<64x768xf32, #tpu.memory_space<vmem>>, vector<1x16xf32>,
        %swap3A_123 = vector.shape_cast %swap3A_122 : vector<1x16xf32> to vector<16xf32>
        %swap3A_124 = vector.shape_cast %add3A_119 : vector<16xf32> to vector<1x16xf32>
        tpu.vector_store %arg11[%swap3A_120, %swap3A_121], %swap3A_124 {strides = array<i32>} : memref<64x768xf32, #tpu.memory_space<vmem>>, vector<1x16xf32>,
        %get3A_125 = arith.index_cast %add3A_42 : i32 to index
        %get3A_126 = arith.constant 96 : index
        %get3A_127 = tpu.vector_load %arg11[%get3A_125, %get3A_126] {strides = array<i32>} : memref<64x768xf32, #tpu.memory_space<vmem>>, vector<1x16xf32>,
        %get3A_128 = vector.shape_cast %get3A_127 : vector<1x16xf32> to vector<16xf32>
        %get3A_129 = arith.index_cast %add3A_42 : i32 to index
        %get3A_130 = arith.constant 96 : index
        %get3A_131 = tpu.vector_load %arg12[%get3A_129, %get3A_130] {strides = array<i32>} : memref<64x768xf32, #tpu.memory_space<vmem>>, vector<1x16xf32>,
        %get3A_132 = vector.shape_cast %get3A_131 : vector<1x16xf32> to vector<16xf32>
        %add3A_133 = arith.addf %get3A_128, %get3A_132 : vector<16xf32>
        %swap3A_134 = arith.index_cast %add3A_42 : i32 to index
        %swap3A_135 = arith.constant 96 : index
        %swap3A_136 = tpu.vector_load %arg11[%swap3A_134, %swap3A_135] {strides = array<i32>} : memref<64x768xf32, #tpu.memory_space<vmem>>, vector<1x16xf32>,
        %swap3A_137 = vector.shape_cast %swap3A_136 : vector<1x16xf32> to vector<16xf32>
        %swap3A_138 = vector.shape_cast %add3A_133 : vector<16xf32> to vector<1x16xf32>
        tpu.vector_store %arg11[%swap3A_134, %swap3A_135], %swap3A_138 {strides = array<i32>} : memref<64x768xf32, #tpu.memory_space<vmem>>, vector<1x16xf32>,
        %get3A_139 = arith.index_cast %add3A_42 : i32 to index
        %get3A_140 = arith.constant 112 : index
        %get3A_141 = tpu.vector_load %arg11[%get3A_139, %get3A_140] {strides = array<i32>} : memref<64x768xf32, #tpu.memory_space<vmem>>, vector<1x16xf32>,
        %get3A_142 = vector.shape_cast %get3A_141 : vector<1x16xf32> to vector<16xf32>
        %get3A_143 = arith.index_cast %add3A_42 : i32 to index
        %get3A_144 = arith.constant 112 : index
        %get3A_145 = tpu.vector_load %arg12[%get3A_143, %get3A_144] {strides = array<i32>} : memref<64x768xf32, #tpu.memory_space<vmem>>, vector<1x16xf32>,
        %get3A_146 = vector.shape_cast %get3A_145 : vector<1x16xf32> to vector<16xf32>
        %add3A_147 = arith.addf %get3A_142, %get3A_146 : vector<16xf32>
        %swap3A_148 = arith.index_cast %add3A_42 : i32 to index
        %swap3A_149 = arith.constant 112 : index
        %swap3A_150 = tpu.vector_load %arg11[%swap3A_148, %swap3A_149] {strides = array<i32>} : memref<64x768xf32, #tpu.memory_space<vmem>>, vector<1x16xf32>,
        %swap3A_151 = vector.shape_cast %swap3A_150 : vector<1x16xf32> to vector<16xf32>
        %swap3A_152 = vector.shape_cast %add3A_147 : vector<16xf32> to vector<1x16xf32>
        tpu.vector_store %arg11[%swap3A_148, %swap3A_149], %swap3A_152 {strides = array<i32>} : memref<64x768xf32, #tpu.memory_space<vmem>>, vector<1x16xf32>,
        %get3A_153 = arith.index_cast %add3A_42 : i32 to index
        %get3A_154 = arith.constant 128 : index
        %get3A_155 = tpu.vector_load %arg11[%get3A_153, %get3A_154] {strides = array<i32>} : memref<64x768xf32, #tpu.memory_space<vmem>>, vector<1x16xf32>,
        %get3A_156 = vector.shape_cast %get3A_155 : vector<1x16xf32> to vector<16xf32>
        %get3A_157 = arith.index_cast %add3A_42 : i32 to index
        %get3A_158 = arith.constant 128 : index
        %get3A_159 = tpu.vector_load %arg12[%get3A_157, %get3A_158] {strides = array<i32>} : memref<64x768xf32, #tpu.memory_space<vmem>>, vector<1x16xf32>,
        %get3A_160 = vector.shape_cast %get3A_159 : vector<1x16xf32> to vector<16xf32>
        %add3A_161 = arith.addf %get3A_156, %get3A_160 : vector<16xf32>
        %swap3A_162 = arith.index_cast %add3A_42 : i32 to index
        %swap3A_163 = arith.constant 128 : index
        %swap3A_164 = tpu.vector_load %arg11[%swap3A_162, %swap3A_163] {strides = array<i32>} : memref<64x768xf32, #tpu.memory_space<vmem>>, vector<1x16xf32>,
        %swap3A_165 = vector.shape_cast %swap3A_164 : vector<1x16xf32> to vector<16xf32>
        %swap3A_166 = vector.shape_cast %add3A_161 : vector<16xf32> to vector<1x16xf32>
        tpu.vector_store %arg11[%swap3A_162, %swap3A_163], %swap3A_166 {strides = array<i32>} : memref<64x768xf32, #tpu.memory_space<vmem>>, vector<1x16xf32>,
        %get3A_167 = arith.index_cast %add3A_42 : i32 to index
        %get3A_168 = arith.constant 144 : index
        %get3A_169 = tpu.vector_load %arg11[%get3A_167, %get3A_168] {strides = array<i32>} : memref<64x768xf32, #tpu.memory_space<vmem>>, vector<1x16xf32>,
        %get3A_170 = vector.shape_cast %get3A_169 : vector<1x16xf32> to vector<16xf32>
        %get3A_171 = arith.index_cast %add3A_42 : i32 to index
        %get3A_172 = arith.constant 144 : index
        %get3A_173 = tpu.vector_load %arg12[%get3A_171, %get3A_172] {strides = array<i32>} : memref<64x768xf32, #tpu.memory_space<vmem>>, vector<1x16xf32>,
        %get3A_174 = vector.shape_cast %get3A_173 : vector<1x16xf32> to vector<16xf32>
        %add3A_175 = arith.addf %get3A_170, %get3A_174 : vector<16xf32>
        %swap3A_176 = arith.index_cast %add3A_42 : i32 to index
        %swap3A_177 = arith.constant 144 : index
        %swap3A_178 = tpu.vector_load %arg11[%swap3A_176, %swap3A_177] {strides = array<i32>} : memref<64x768xf32, #tpu.memory_space<vmem>>, vector<1x16xf32>,
        %swap3A_179 = vector.shape_cast %swap3A_178 : vector<1x16xf32> to vector<16xf32>
        %swap3A_180 = vector.shape_cast %add3A_175 : vector<16xf32> to vector<1x16xf32>
        tpu.vector_store %arg11[%swap3A_176, %swap3A_177], %swap3A_180 {strides = array<i32>} : memref<64x768xf32, #tpu.memory_space<vmem>>, vector<1x16xf32>,
        %get3A_181 = arith.index_cast %add3A_42 : i32 to index
        %get3A_182 = arith.constant 160 : index
        %get3A_183 = tpu.vector_load %arg11[%get3A_181, %get3A_182] {strides = array<i32>} : memref<64x768xf32, #tpu.memory_space<vmem>>, vector<1x16xf32>,
        %get3A_184 = vector.shape_cast %get3A_183 : vector<1x16xf32> to vector<16xf32>
        %get3A_185 = arith.index_cast %add3A_42 : i32 to index
        %get3A_186 = arith.constant 160 : index
        %get3A_187 = tpu.vector_load %arg12[%get3A_185, %get3A_186] {strides = array<i32>} : memref<64x768xf32, #tpu.memory_space<vmem>>, vector<1x16xf32>,
        %get3A_188 = vector.shape_cast %get3A_187 : vector<1x16xf32> to vector<16xf32>
        %add3A_189 = arith.addf %get3A_184, %get3A_188 : vector<16xf32>
        %swap3A_190 = arith.index_cast %add3A_42 : i32 to index
        %swap3A_191 = arith.constant 160 : index
        %swap3A_192 = tpu.vector_load %arg11[%swap3A_190, %swap3A_191] {strides = array<i32>} : memref<64x768xf32, #tpu.memory_space<vmem>>, vector<1x16xf32>,
        %swap3A_193 = vector.shape_cast %swap3A_192 : vector<1x16xf32> to vector<16xf32>
        %swap3A_194 = vector.shape_cast %add3A_189 : vector<16xf32> to vector<1x16xf32>
        tpu.vector_store %arg11[%swap3A_190, %swap3A_191], %swap3A_194 {strides = array<i32>} : memref<64x768xf32, #tpu.memory_space<vmem>>, vector<1x16xf32>,
        %get3A_195 = arith.index_cast %add3A_42 : i32 to index
        %get3A_196 = arith.constant 176 : index
        %get3A_197 = tpu.vector_load %arg11[%get3A_195, %get3A_196] {strides = array<i32>} : memref<64x768xf32, #tpu.memory_space<vmem>>, vector<1x16xf32>,
        %get3A_198 = vector.shape_cast %get3A_197 : vector<1x16xf32> to vector<16xf32>
        %get3A_199 = arith.index_cast %add3A_42 : i32 to index
        %get3A_200 = arith.constant 176 : index
        %get3A_201 = tpu.vector_load %arg12[%get3A_199, %get3A_200] {strides = array<i32>} : memref<64x768xf32, #tpu.memory_space<vmem>>, vector<1x16xf32>,
        %get3A_202 = vector.shape_cast %get3A_201 : vector<1x16xf32> to vector<16xf32>
        %add3A_203 = arith.addf %get3A_198, %get3A_202 : vector<16xf32>
        %swap3A_204 = arith.index_cast %add3A_42 : i32 to index
        %swap3A_205 = arith.constant 176 : index
        %swap3A_206 = tpu.vector_load %arg11[%swap3A_204, %swap3A_205] {strides = array<i32>} : memref<64x768xf32, #tpu.memory_space<vmem>>, vector<1x16xf32>,
        %swap3A_207 = vector.shape_cast %swap3A_206 : vector<1x16xf32> to vector<16xf32>
        %swap3A_208 = vector.shape_cast %add3A_203 : vector<16xf32> to vector<1x16xf32>
        tpu.vector_store %arg11[%swap3A_204, %swap3A_205], %swap3A_208 {strides = array<i32>} : memref<64x768xf32, #tpu.memory_space<vmem>>, vector<1x16xf32>,
        %get3A_209 = arith.index_cast %add3A_42 : i32 to index
        %get3A_210 = arith.constant 192 : index
        %get3A_211 = tpu.vector_load %arg11[%get3A_209, %get3A_210] {strides = array<i32>} : memref<64x768xf32, #tpu.memory_space<vmem>>, vector<1x16xf32>,
        %get3A_212 = vector.shape_cast %get3A_211 : vector<1x16xf32> to vector<16xf32>
        %get3A_213 = arith.index_cast %add3A_42 : i32 to index
        %get3A_214 = arith.constant 192 : index
        %get3A_215 = tpu.vector_load %arg12[%get3A_213, %get3A_214] {strides = array<i32>} : memref<64x768xf32, #tpu.memory_space<vmem>>, vector<1x16xf32>,
        %get3A_216 = vector.shape_cast %get3A_215 : vector<1x16xf32> to vector<16xf32>
        %add3A_217 = arith.addf %get3A_212, %get3A_216 : vector<16xf32>
        %swap3A_218 = arith.index_cast %add3A_42 : i32 to index
        %swap3A_219 = arith.constant 192 : index
        %swap3A_220 = tpu.vector_load %arg11[%swap3A_218, %swap3A_219] {strides = array<i32>} : memref<64x768xf32, #tpu.memory_space<vmem>>, vector<1x16xf32>,
        %swap3A_221 = vector.shape_cast %swap3A_220 : vector<1x16xf32> to vector<16xf32>
        %swap3A_222 = vector.shape_cast %add3A_217 : vector<16xf32> to vector<1x16xf32>
        tpu.vector_store %arg11[%swap3A_218, %swap3A_219], %swap3A_222 {strides = array<i32>} : memref<64x768xf32, #tpu.memory_space<vmem>>, vector<1x16xf32>,
        %get3A_223 = arith.index_cast %add3A_42 : i32 to index
        %get3A_224 = arith.constant 208 : index
        %get3A_225 = tpu.vector_load %arg11[%get3A_223, %get3A_224] {strides = array<i32>} : memref<64x768xf32, #tpu.memory_space<vmem>>, vector<1x16xf32>,
        %get3A_226 = vector.shape_cast %get3A_225 : vector<1x16xf32> to vector<16xf32>
        %get3A_227 = arith.index_cast %add3A_42 : i32 to index
        %get3A_228 = arith.constant 208 : index
        %get3A_229 = tpu.vector_load %arg12[%get3A_227, %get3A_228] {strides = array<i32>} : memref<64x768xf32, #tpu.memory_space<vmem>>, vector<1x16xf32>,
        %get3A_230 = vector.shape_cast %get3A_229 : vector<1x16xf32> to vector<16xf32>
        %add3A_231 = arith.addf %get3A_226, %get3A_230 : vector<16xf32>
        %swap3A_232 = arith.index_cast %add3A_42 : i32 to index
        %swap3A_233 = arith.constant 208 : index
        %swap3A_234 = tpu.vector_load %arg11[%swap3A_232, %swap3A_233] {strides = array<i32>} : memref<64x768xf32, #tpu.memory_space<vmem>>, vector<1x16xf32>,
        %swap3A_235 = vector.shape_cast %swap3A_234 : vector<1x16xf32> to vector<16xf32>
        %swap3A_236 = vector.shape_cast %add3A_231 : vector<16xf32> to vector<1x16xf32>
        tpu.vector_store %arg11[%swap3A_232, %swap3A_233], %swap3A_236 {strides = array<i32>} : memref<64x768xf32, #tpu.memory_space<vmem>>, vector<1x16xf32>,
        %get3A_237 = arith.index_cast %add3A_42 : i32 to index
        %get3A_238 = arith.constant 224 : index
        %get3A_239 = tpu.vector_load %arg11[%get3A_237, %get3A_238] {strides = array<i32>} : memref<64x768xf32, #tpu.memory_space<vmem>>, vector<1x16xf32>,
        %get3A_240 = vector.shape_cast %get3A_239 : vector<1x16xf32> to vector<16xf32>
        %get3A_241 = arith.index_cast %add3A_42 : i32 to index
        %get3A_242 = arith.constant 224 : index
        %get3A_243 = tpu.vector_load %arg12[%get3A_241, %get3A_242] {strides = array<i32>} : memref<64x768xf32, #tpu.memory_space<vmem>>, vector<1x16xf32>,
        %get3A_244 = vector.shape_cast %get3A_243 : vector<1x16xf32> to vector<16xf32>
        %add3A_245 = arith.addf %get3A_240, %get3A_244 : vector<16xf32>
        %swap3A_246 = arith.index_cast %add3A_42 : i32 to index
        %swap3A_247 = arith.constant 224 : index
        %swap3A_248 = tpu.vector_load %arg11[%swap3A_246, %swap3A_247] {strides = array<i32>} : memref<64x768xf32, #tpu.memory_space<vmem>>, vector<1x16xf32>,
        %swap3A_249 = vector.shape_cast %swap3A_248 : vector<1x16xf32> to vector<16xf32>
        %swap3A_250 = vector.shape_cast %add3A_245 : vector<16xf32> to vector<1x16xf32>
        tpu.vector_store %arg11[%swap3A_246, %swap3A_247], %swap3A_250 {strides = array<i32>} : memref<64x768xf32, #tpu.memory_space<vmem>>, vector<1x16xf32>,
        %get3A_251 = arith.index_cast %add3A_42 : i32 to index
        %get3A_252 = arith.constant 240 : index
        %get3A_253 = tpu.vector_load %arg11[%get3A_251, %get3A_252] {strides = array<i32>} : memref<64x768xf32, #tpu.memory_space<vmem>>, vector<1x16xf32>,
        %get3A_254 = vector.shape_cast %get3A_253 : vector<1x16xf32> to vector<16xf32>
        %get3A_255 = arith.index_cast %add3A_42 : i32 to index
        %get3A_256 = arith.constant 240 : index
        %get3A_257 = tpu.vector_load %arg12[%get3A_255, %get3A_256] {strides = array<i32>} : memref<64x768xf32, #tpu.memory_space<vmem>>, vector<1x16xf32>,
        %get3A_258 = vector.shape_cast %get3A_257 : vector<1x16xf32> to vector<16xf32>
        %add3A_259 = arith.addf %get3A_254, %get3A_258 : vector<16xf32>
        %swap3A_260 = arith.index_cast %add3A_42 : i32 to index
        %swap3A_261 = arith.constant 240 : index
        %swap3A_262 = tpu.vector_load %arg11[%swap3A_260, %swap3A_261] {strides = array<i32>} : memref<64x768xf32, #tpu.memory_space<vmem>>, vector<1x16xf32>,
        %swap3A_263 = vector.shape_cast %swap3A_262 : vector<1x16xf32> to vector<16xf32>
        %swap3A_264 = vector.shape_cast %add3A_259 : vector<16xf32> to vector<1x16xf32>
        tpu.vector_store %arg11[%swap3A_260, %swap3A_261], %swap3A_264 {strides = array<i32>} : memref<64x768xf32, #tpu.memory_space<vmem>>, vector<1x16xf32>,
        %get3A_265 = arith.index_cast %add3A_42 : i32 to index
        %get3A_266 = arith.constant 256 : index
        %get3A_267 = tpu.vector_load %arg11[%get3A_265, %get3A_266] {strides = array<i32>} : memref<64x768xf32, #tpu.memory_space<vmem>>, vector<1x16xf32>,
        %get3A_268 = vector.shape_cast %get3A_267 : vector<1x16xf32> to vector<16xf32>
        %get3A_269 = arith.index_cast %add3A_42 : i32 to index
        %get3A_270 = arith.constant 256 : index
        %get3A_271 = tpu.vector_load %arg12[%get3A_269, %get3A_270] {strides = array<i32>} : memref<64x768xf32, #tpu.memory_space<vmem>>, vector<1x16xf32>,
        %get3A_272 = vector.shape_cast %get3A_271 : vector<1x16xf32> to vector<16xf32>
        %add3A_273 = arith.addf %get3A_268, %get3A_272 : vector<16xf32>
        %swap3A_274 = arith.index_cast %add3A_42 : i32 to index
        %swap3A_275 = arith.constant 256 : index
        %swap3A_276 = tpu.vector_load %arg11[%swap3A_274, %swap3A_275] {strides = array<i32>} : memref<64x768xf32, #tpu.memory_space<vmem>>, vector<1x16xf32>,
        %swap3A_277 = vector.shape_cast %swap3A_276 : vector<1x16xf32> to vector<16xf32>
        %swap3A_278 = vector.shape_cast %add3A_273 : vector<16xf32> to vector<1x16xf32>
        tpu.vector_store %arg11[%swap3A_274, %swap3A_275], %swap3A_278 {strides = array<i32>} : memref<64x768xf32, #tpu.memory_space<vmem>>, vector<1x16xf32>,
        %get3A_279 = arith.index_cast %add3A_42 : i32 to index
        %get3A_280 = arith.constant 272 : index
        %get3A_281 = tpu.vector_load %arg11[%get3A_279, %get3A_280] {strides = array<i32>} : memref<64x768xf32, #tpu.memory_space<vmem>>, vector<1x16xf32>,
        %get3A_282 = vector.shape_cast %get3A_281 : vector<1x16xf32> to vector<16xf32>
        %get3A_283 = arith.index_cast %add3A_42 : i32 to index
        %get3A_284 = arith.constant 272 : index
        %get3A_285 = tpu.vector_load %arg12[%get3A_283, %get3A_284] {strides = array<i32>} : memref<64x768xf32, #tpu.memory_space<vmem>>, vector<1x16xf32>,
        %get3A_286 = vector.shape_cast %get3A_285 : vector<1x16xf32> to vector<16xf32>
        %add3A_287 = arith.addf %get3A_282, %get3A_286 : vector<16xf32>
        %swap3A_288 = arith.index_cast %add3A_42 : i32 to index
        %swap3A_289 = arith.constant 272 : index
        %swap3A_290 = tpu.vector_load %arg11[%swap3A_288, %swap3A_289] {strides = array<i32>} : memref<64x768xf32, #tpu.memory_space<vmem>>, vector<1x16xf32>,
        %swap3A_291 = vector.shape_cast %swap3A_290 : vector<1x16xf32> to vector<16xf32>
        %swap3A_292 = vector.shape_cast %add3A_287 : vector<16xf32> to vector<1x16xf32>
        tpu.vector_store %arg11[%swap3A_288, %swap3A_289], %swap3A_292 {strides = array<i32>} : memref<64x768xf32, #tpu.memory_space<vmem>>, vector<1x16xf32>,
        %get3A_293 = arith.index_cast %add3A_42 : i32 to index
        %get3A_294 = arith.constant 288 : index
        %get3A_295 = tpu.vector_load %arg11[%get3A_293, %get3A_294] {strides = array<i32>} : memref<64x768xf32, #tpu.memory_space<vmem>>, vector<1x16xf32>,
        %get3A_296 = vector.shape_cast %get3A_295 : vector<1x16xf32> to vector<16xf32>
        %get3A_297 = arith.index_cast %add3A_42 : i32 to index
        %get3A_298 = arith.constant 288 : index
        %get3A_299 = tpu.vector_load %arg12[%get3A_297, %get3A_298] {strides = array<i32>} : memref<64x768xf32, #tpu.memory_space<vmem>>, vector<1x16xf32>,
        %get3A_300 = vector.shape_cast %get3A_299 : vector<1x16xf32> to vector<16xf32>
        %add3A_301 = arith.addf %get3A_296, %get3A_300 : vector<16xf32>
        %swap3A_302 = arith.index_cast %add3A_42 : i32 to index
        %swap3A_303 = arith.constant 288 : index
        %swap3A_304 = tpu.vector_load %arg11[%swap3A_302, %swap3A_303] {strides = array<i32>} : memref<64x768xf32, #tpu.memory_space<vmem>>, vector<1x16xf32>,
        %swap3A_305 = vector.shape_cast %swap3A_304 : vector<1x16xf32> to vector<16xf32>
        %swap3A_306 = vector.shape_cast %add3A_301 : vector<16xf32> to vector<1x16xf32>
        tpu.vector_store %arg11[%swap3A_302, %swap3A_303], %swap3A_306 {strides = array<i32>} : memref<64x768xf32, #tpu.memory_space<vmem>>, vector<1x16xf32>,
        %get3A_307 = arith.index_cast %add3A_42 : i32 to index
        %get3A_308 = arith.constant 304 : index
        %get3A_309 = tpu.vector_load %arg11[%get3A_307, %get3A_308] {strides = array<i32>} : memref<64x768xf32, #tpu.memory_space<vmem>>, vector<1x16xf32>,
        %get3A_310 = vector.shape_cast %get3A_309 : vector<1x16xf32> to vector<16xf32>
        %get3A_311 = arith.index_cast %add3A_42 : i32 to index
        %get3A_312 = arith.constant 304 : index
        %get3A_313 = tpu.vector_load %arg12[%get3A_311, %get3A_312] {strides = array<i32>} : memref<64x768xf32, #tpu.memory_space<vmem>>, vector<1x16xf32>,
        %get3A_314 = vector.shape_cast %get3A_313 : vector<1x16xf32> to vector<16xf32>
        %add3A_315 = arith.addf %get3A_310, %get3A_314 : vector<16xf32>
        %swap3A_316 = arith.index_cast %add3A_42 : i32 to index
        %swap3A_317 = arith.constant 304 : index
        %swap3A_318 = tpu.vector_load %arg11[%swap3A_316, %swap3A_317] {strides = array<i32>} : memref<64x768xf32, #tpu.memory_space<vmem>>, vector<1x16xf32>,
        %swap3A_319 = vector.shape_cast %swap3A_318 : vector<1x16xf32> to vector<16xf32>
        %swap3A_320 = vector.shape_cast %add3A_315 : vector<16xf32> to vector<1x16xf32>
        tpu.vector_store %arg11[%swap3A_316, %swap3A_317], %swap3A_320 {strides = array<i32>} : memref<64x768xf32, #tpu.memory_space<vmem>>, vector<1x16xf32>,
        %get3A_321 = arith.index_cast %add3A_42 : i32 to index
        %get3A_322 = arith.constant 320 : index
        %get3A_323 = tpu.vector_load %arg11[%get3A_321, %get3A_322] {strides = array<i32>} : memref<64x768xf32, #tpu.memory_space<vmem>>, vector<1x16xf32>,
        %get3A_324 = vector.shape_cast %get3A_323 : vector<1x16xf32> to vector<16xf32>
        %get3A_325 = arith.index_cast %add3A_42 : i32 to index
        %get3A_326 = arith.constant 320 : index
        %get3A_327 = tpu.vector_load %arg12[%get3A_325, %get3A_326] {strides = array<i32>} : memref<64x768xf32, #tpu.memory_space<vmem>>, vector<1x16xf32>,
        %get3A_328 = vector.shape_cast %get3A_327 : vector<1x16xf32> to vector<16xf32>
        %add3A_329 = arith.addf %get3A_324, %get3A_328 : vector<16xf32>
        %swap3A_330 = arith.index_cast %add3A_42 : i32 to index
        %swap3A_331 = arith.constant 320 : index
        %swap3A_332 = tpu.vector_load %arg11[%swap3A_330, %swap3A_331] {strides = array<i32>} : memref<64x768xf32, #tpu.memory_space<vmem>>, vector<1x16xf32>,
        %swap3A_333 = vector.shape_cast %swap3A_332 : vector<1x16xf32> to vector<16xf32>
        %swap3A_334 = vector.shape_cast %add3A_329 : vector<16xf32> to vector<1x16xf32>
        tpu.vector_store %arg11[%swap3A_330, %swap3A_331], %swap3A_334 {strides = array<i32>} : memref<64x768xf32, #tpu.memory_space<vmem>>, vector<1x16xf32>,
        %get3A_335 = arith.index_cast %add3A_42 : i32 to index
        %get3A_336 = arith.constant 336 : index
        %get3A_337 = tpu.vector_load %arg11[%get3A_335, %get3A_336] {strides = array<i32>} : memref<64x768xf32, #tpu.memory_space<vmem>>, vector<1x16xf32>,
        %get3A_338 = vector.shape_cast %get3A_337 : vector<1x16xf32> to vector<16xf32>
        %get3A_339 = arith.index_cast %add3A_42 : i32 to index
        %get3A_340 = arith.constant 336 : index
        %get3A_341 = tpu.vector_load %arg12[%get3A_339, %get3A_340] {strides = array<i32>} : memref<64x768xf32, #tpu.memory_space<vmem>>, vector<1x16xf32>,
        %get3A_342 = vector.shape_cast %get3A_341 : vector<1x16xf32> to vector<16xf32>
        %add3A_343 = arith.addf %get3A_338, %get3A_342 : vector<16xf32>
        %swap3A_344 = arith.index_cast %add3A_42 : i32 to index
        %swap3A_345 = arith.constant 336 : index
        %swap3A_346 = tpu.vector_load %arg11[%swap3A_344, %swap3A_345] {strides = array<i32>} : memref<64x768xf32, #tpu.memory_space<vmem>>, vector<1x16xf32>,
        %swap3A_347 = vector.shape_cast %swap3A_346 : vector<1x16xf32> to vector<16xf32>
        %swap3A_348 = vector.shape_cast %add3A_343 : vector<16xf32> to vector<1x16xf32>
        tpu.vector_store %arg11[%swap3A_344, %swap3A_345], %swap3A_348 {strides = array<i32>} : memref<64x768xf32, #tpu.memory_space<vmem>>, vector<1x16xf32>,
        %get3A_349 = arith.index_cast %add3A_42 : i32 to index
        %get3A_350 = arith.constant 352 : index
        %get3A_351 = tpu.vector_load %arg11[%get3A_349, %get3A_350] {strides = array<i32>} : memref<64x768xf32, #tpu.memory_space<vmem>>, vector<1x16xf32>,
        %get3A_352 = vector.shape_cast %get3A_351 : vector<1x16xf32> to vector<16xf32>
        %get3A_353 = arith.index_cast %add3A_42 : i32 to index
        %get3A_354 = arith.constant 352 : index
        %get3A_355 = tpu.vector_load %arg12[%get3A_353, %get3A_354] {strides = array<i32>} : memref<64x768xf32, #tpu.memory_space<vmem>>, vector<1x16xf32>,
        %get3A_356 = vector.shape_cast %get3A_355 : vector<1x16xf32> to vector<16xf32>
        %add3A_357 = arith.addf %get3A_352, %get3A_356 : vector<16xf32>
        %swap3A_358 = arith.index_cast %add3A_42 : i32 to index
        %swap3A_359 = arith.constant 352 : index
        %swap3A_360 = tpu.vector_load %arg11[%swap3A_358, %swap3A_359] {strides = array<i32>} : memref<64x768xf32, #tpu.memory_space<vmem>>, vector<1x16xf32>,
        %swap3A_361 = vector.shape_cast %swap3A_360 : vector<1x16xf32> to vector<16xf32>
        %swap3A_362 = vector.shape_cast %add3A_357 : vector<16xf32> to vector<1x16xf32>
        tpu.vector_store %arg11[%swap3A_358, %swap3A_359], %swap3A_362 {strides = array<i32>} : memref<64x768xf32, #tpu.memory_space<vmem>>, vector<1x16xf32>,
        %get3A_363 = arith.index_cast %add3A_42 : i32 to index
        %get3A_364 = arith.constant 368 : index
        %get3A_365 = tpu.vector_load %arg11[%get3A_363, %get3A_364] {strides = array<i32>} : memref<64x768xf32, #tpu.memory_space<vmem>>, vector<1x16xf32>,
        %get3A_366 = vector.shape_cast %get3A_365 : vector<1x16xf32> to vector<16xf32>
        %get3A_367 = arith.index_cast %add3A_42 : i32 to index
        %get3A_368 = arith.constant 368 : index
        %get3A_369 = tpu.vector_load %arg12[%get3A_367, %get3A_368] {strides = array<i32>} : memref<64x768xf32, #tpu.memory_space<vmem>>, vector<1x16xf32>,
        %get3A_370 = vector.shape_cast %get3A_369 : vector<1x16xf32> to vector<16xf32>
        %add3A_371 = arith.addf %get3A_366, %get3A_370 : vector<16xf32>
        %swap3A_372 = arith.index_cast %add3A_42 : i32 to index
        %swap3A_373 = arith.constant 368 : index
        %swap3A_374 = tpu.vector_load %arg11[%swap3A_372, %swap3A_373] {strides = array<i32>} : memref<64x768xf32, #tpu.memory_space<vmem>>, vector<1x16xf32>,
        %swap3A_375 = vector.shape_cast %swap3A_374 : vector<1x16xf32> to vector<16xf32>
        %swap3A_376 = vector.shape_cast %add3A_371 : vector<16xf32> to vector<1x16xf32>
        tpu.vector_store %arg11[%swap3A_372, %swap3A_373], %swap3A_376 {strides = array<i32>} : memref<64x768xf32, #tpu.memory_space<vmem>>, vector<1x16xf32>,
        %get3A_377 = arith.index_cast %add3A_42 : i32 to index
        %get3A_378 = arith.constant 384 : index
        %get3A_379 = tpu.vector_load %arg11[%get3A_377, %get3A_378] {strides = array<i32>} : memref<64x768xf32, #tpu.memory_space<vmem>>, vector<1x16xf32>,
        %get3A_380 = vector.shape_cast %get3A_379 : vector<1x16xf32> to vector<16xf32>
        %get3A_381 = arith.index_cast %add3A_42 : i32 to index
        %get3A_382 = arith.constant 384 : index
        %get3A_383 = tpu.vector_load %arg12[%get3A_381, %get3A_382] {strides = array<i32>} : memref<64x768xf32, #tpu.memory_space<vmem>>, vector<1x16xf32>,
        %get3A_384 = vector.shape_cast %get3A_383 : vector<1x16xf32> to vector<16xf32>
        %add3A_385 = arith.addf %get3A_380, %get3A_384 : vector<16xf32>
        %swap3A_386 = arith.index_cast %add3A_42 : i32 to index
        %swap3A_387 = arith.constant 384 : index
        %swap3A_388 = tpu.vector_load %arg11[%swap3A_386, %swap3A_387] {strides = array<i32>} : memref<64x768xf32, #tpu.memory_space<vmem>>, vector<1x16xf32>,
        %swap3A_389 = vector.shape_cast %swap3A_388 : vector<1x16xf32> to vector<16xf32>
        %swap3A_390 = vector.shape_cast %add3A_385 : vector<16xf32> to vector<1x16xf32>
        tpu.vector_store %arg11[%swap3A_386, %swap3A_387], %swap3A_390 {strides = array<i32>} : memref<64x768xf32, #tpu.memory_space<vmem>>, vector<1x16xf32>,
        %get3A_391 = arith.index_cast %add3A_42 : i32 to index
        %get3A_392 = arith.constant 400 : index
        %get3A_393 = tpu.vector_load %arg11[%get3A_391, %get3A_392] {strides = array<i32>} : memref<64x768xf32, #tpu.memory_space<vmem>>, vector<1x16xf32>,
        %get3A_394 = vector.shape_cast %get3A_393 : vector<1x16xf32> to vector<16xf32>
        %get3A_395 = arith.index_cast %add3A_42 : i32 to index
        %get3A_396 = arith.constant 400 : index
        %get3A_397 = tpu.vector_load %arg12[%get3A_395, %get3A_396] {strides = array<i32>} : memref<64x768xf32, #tpu.memory_space<vmem>>, vector<1x16xf32>,
        %get3A_398 = vector.shape_cast %get3A_397 : vector<1x16xf32> to vector<16xf32>
        %add3A_399 = arith.addf %get3A_394, %get3A_398 : vector<16xf32>
        %swap3A_400 = arith.index_cast %add3A_42 : i32 to index
        %swap3A_401 = arith.constant 400 : index
        %swap3A_402 = tpu.vector_load %arg11[%swap3A_400, %swap3A_401] {strides = array<i32>} : memref<64x768xf32, #tpu.memory_space<vmem>>, vector<1x16xf32>,
        %swap3A_403 = vector.shape_cast %swap3A_402 : vector<1x16xf32> to vector<16xf32>
        %swap3A_404 = vector.shape_cast %add3A_399 : vector<16xf32> to vector<1x16xf32>
        tpu.vector_store %arg11[%swap3A_400, %swap3A_401], %swap3A_404 {strides = array<i32>} : memref<64x768xf32, #tpu.memory_space<vmem>>, vector<1x16xf32>,
        %get3A_405 = arith.index_cast %add3A_42 : i32 to index
        %get3A_406 = arith.constant 416 : index
        %get3A_407 = tpu.vector_load %arg11[%get3A_405, %get3A_406] {strides = array<i32>} : memref<64x768xf32, #tpu.memory_space<vmem>>, vector<1x16xf32>,
        %get3A_408 = vector.shape_cast %get3A_407 : vector<1x16xf32> to vector<16xf32>
        %get3A_409 = arith.index_cast %add3A_42 : i32 to index
        %get3A_410 = arith.constant 416 : index
        %get3A_411 = tpu.vector_load %arg12[%get3A_409, %get3A_410] {strides = array<i32>} : memref<64x768xf32, #tpu.memory_space<vmem>>, vector<1x16xf32>,
        %get3A_412 = vector.shape_cast %get3A_411 : vector<1x16xf32> to vector<16xf32>
        %add3A_413 = arith.addf %get3A_408, %get3A_412 : vector<16xf32>
        %swap3A_414 = arith.index_cast %add3A_42 : i32 to index
        %swap3A_415 = arith.constant 416 : index
        %swap3A_416 = tpu.vector_load %arg11[%swap3A_414, %swap3A_415] {strides = array<i32>} : memref<64x768xf32, #tpu.memory_space<vmem>>, vector<1x16xf32>,
        %swap3A_417 = vector.shape_cast %swap3A_416 : vector<1x16xf32> to vector<16xf32>
        %swap3A_418 = vector.shape_cast %add3A_413 : vector<16xf32> to vector<1x16xf32>
        tpu.vector_store %arg11[%swap3A_414, %swap3A_415], %swap3A_418 {strides = array<i32>} : memref<64x768xf32, #tpu.memory_space<vmem>>, vector<1x16xf32>,
        %get3A_419 = arith.index_cast %add3A_42 : i32 to index
        %get3A_420 = arith.constant 432 : index
        %get3A_421 = tpu.vector_load %arg11[%get3A_419, %get3A_420] {strides = array<i32>} : memref<64x768xf32, #tpu.memory_space<vmem>>, vector<1x16xf32>,
        %get3A_422 = vector.shape_cast %get3A_421 : vector<1x16xf32> to vector<16xf32>
        %get3A_423 = arith.index_cast %add3A_42 : i32 to index
        %get3A_424 = arith.constant 432 : index
        %get3A_425 = tpu.vector_load %arg12[%get3A_423, %get3A_424] {strides = array<i32>} : memref<64x768xf32, #tpu.memory_space<vmem>>, vector<1x16xf32>,
        %get3A_426 = vector.shape_cast %get3A_425 : vector<1x16xf32> to vector<16xf32>
        %add3A_427 = arith.addf %get3A_422, %get3A_426 : vector<16xf32>
        %swap3A_428 = arith.index_cast %add3A_42 : i32 to index
        %swap3A_429 = arith.constant 432 : index
        %swap3A_430 = tpu.vector_load %arg11[%swap3A_428, %swap3A_429] {strides = array<i32>} : memref<64x768xf32, #tpu.memory_space<vmem>>, vector<1x16xf32>,
        %swap3A_431 = vector.shape_cast %swap3A_430 : vector<1x16xf32> to vector<16xf32>
        %swap3A_432 = vector.shape_cast %add3A_427 : vector<16xf32> to vector<1x16xf32>
        tpu.vector_store %arg11[%swap3A_428, %swap3A_429], %swap3A_432 {strides = array<i32>} : memref<64x768xf32, #tpu.memory_space<vmem>>, vector<1x16xf32>,
        %get3A_433 = arith.index_cast %add3A_42 : i32 to index
        %get3A_434 = arith.constant 448 : index
        %get3A_435 = tpu.vector_load %arg11[%get3A_433, %get3A_434] {strides = array<i32>} : memref<64x768xf32, #tpu.memory_space<vmem>>, vector<1x16xf32>,
        %get3A_436 = vector.shape_cast %get3A_435 : vector<1x16xf32> to vector<16xf32>
        %get3A_437 = arith.index_cast %add3A_42 : i32 to index
        %get3A_438 = arith.constant 448 : index
        %get3A_439 = tpu.vector_load %arg12[%get3A_437, %get3A_438] {strides = array<i32>} : memref<64x768xf32, #tpu.memory_space<vmem>>, vector<1x16xf32>,
        %get3A_440 = vector.shape_cast %get3A_439 : vector<1x16xf32> to vector<16xf32>
        %add3A_441 = arith.addf %get3A_436, %get3A_440 : vector<16xf32>
        %swap3A_442 = arith.index_cast %add3A_42 : i32 to index
        %swap3A_443 = arith.constant 448 : index
        %swap3A_444 = tpu.vector_load %arg11[%swap3A_442, %swap3A_443] {strides = array<i32>} : memref<64x768xf32, #tpu.memory_space<vmem>>, vector<1x16xf32>,
        %swap3A_445 = vector.shape_cast %swap3A_444 : vector<1x16xf32> to vector<16xf32>
        %swap3A_446 = vector.shape_cast %add3A_441 : vector<16xf32> to vector<1x16xf32>
        tpu.vector_store %arg11[%swap3A_442, %swap3A_443], %swap3A_446 {strides = array<i32>} : memref<64x768xf32, #tpu.memory_space<vmem>>, vector<1x16xf32>,
        %get3A_447 = arith.index_cast %add3A_42 : i32 to index
        %get3A_448 = arith.constant 464 : index
        %get3A_449 = tpu.vector_load %arg11[%get3A_447, %get3A_448] {strides = array<i32>} : memref<64x768xf32, #tpu.memory_space<vmem>>, vector<1x16xf32>,
        %get3A_450 = vector.shape_cast %get3A_449 : vector<1x16xf32> to vector<16xf32>
        %get3A_451 = arith.index_cast %add3A_42 : i32 to index
        %get3A_452 = arith.constant 464 : index
        %get3A_453 = tpu.vector_load %arg12[%get3A_451, %get3A_452] {strides = array<i32>} : memref<64x768xf32, #tpu.memory_space<vmem>>, vector<1x16xf32>,
        %get3A_454 = vector.shape_cast %get3A_453 : vector<1x16xf32> to vector<16xf32>
        %add3A_455 = arith.addf %get3A_450, %get3A_454 : vector<16xf32>
        %swap3A_456 = arith.index_cast %add3A_42 : i32 to index
        %swap3A_457 = arith.constant 464 : index
        %swap3A_458 = tpu.vector_load %arg11[%swap3A_456, %swap3A_457] {strides = array<i32>} : memref<64x768xf32, #tpu.memory_space<vmem>>, vector<1x16xf32>,
        %swap3A_459 = vector.shape_cast %swap3A_458 : vector<1x16xf32> to vector<16xf32>
        %swap3A_460 = vector.shape_cast %add3A_455 : vector<16xf32> to vector<1x16xf32>
        tpu.vector_store %arg11[%swap3A_456, %swap3A_457], %swap3A_460 {strides = array<i32>} : memref<64x768xf32, #tpu.memory_space<vmem>>, vector<1x16xf32>,
        %get3A_461 = arith.index_cast %add3A_42 : i32 to index
        %get3A_462 = arith.constant 480 : index
        %get3A_463 = tpu.vector_load %arg11[%get3A_461, %get3A_462] {strides = array<i32>} : memref<64x768xf32, #tpu.memory_space<vmem>>, vector<1x16xf32>,
        %get3A_464 = vector.shape_cast %get3A_463 : vector<1x16xf32> to vector<16xf32>
        %get3A_465 = arith.index_cast %add3A_42 : i32 to index
        %get3A_466 = arith.constant 480 : index
        %get3A_467 = tpu.vector_load %arg12[%get3A_465, %get3A_466] {strides = array<i32>} : memref<64x768xf32, #tpu.memory_space<vmem>>, vector<1x16xf32>,
        %get3A_468 = vector.shape_cast %get3A_467 : vector<1x16xf32> to vector<16xf32>
        %add3A_469 = arith.addf %get3A_464, %get3A_468 : vector<16xf32>
        %swap3A_470 = arith.index_cast %add3A_42 : i32 to index
        %swap3A_471 = arith.constant 480 : index
        %swap3A_472 = tpu.vector_load %arg11[%swap3A_470, %swap3A_471] {strides = array<i32>} : memref<64x768xf32, #tpu.memory_space<vmem>>, vector<1x16xf32>,
        %swap3A_473 = vector.shape_cast %swap3A_472 : vector<1x16xf32> to vector<16xf32>
        %swap3A_474 = vector.shape_cast %add3A_469 : vector<16xf32> to vector<1x16xf32>
        tpu.vector_store %arg11[%swap3A_470, %swap3A_471], %swap3A_474 {strides = array<i32>} : memref<64x768xf32, #tpu.memory_space<vmem>>, vector<1x16xf32>,
        %get3A_475 = arith.index_cast %add3A_42 : i32 to index
        %get3A_476 = arith.constant 496 : index
        %get3A_477 = tpu.vector_load %arg11[%get3A_475, %get3A_476] {strides = array<i32>} : memref<64x768xf32, #tpu.memory_space<vmem>>, vector<1x16xf32>,
        %get3A_478 = vector.shape_cast %get3A_477 : vector<1x16xf32> to vector<16xf32>
        %get3A_479 = arith.index_cast %add3A_42 : i32 to index
        %get3A_480 = arith.constant 496 : index
        %get3A_481 = tpu.vector_load %arg12[%get3A_479, %get3A_480] {strides = array<i32>} : memref<64x768xf32, #tpu.memory_space<vmem>>, vector<1x16xf32>,
        %get3A_482 = vector.shape_cast %get3A_481 : vector<1x16xf32> to vector<16xf32>
        %add3A_483 = arith.addf %get3A_478, %get3A_482 : vector<16xf32>
        %swap3A_484 = arith.index_cast %add3A_42 : i32 to index
        %swap3A_485 = arith.constant 496 : index
        %swap3A_486 = tpu.vector_load %arg11[%swap3A_484, %swap3A_485] {strides = array<i32>} : memref<64x768xf32, #tpu.memory_space<vmem>>, vector<1x16xf32>,
        %swap3A_487 = vector.shape_cast %swap3A_486 : vector<1x16xf32> to vector<16xf32>
        %swap3A_488 = vector.shape_cast %add3A_483 : vector<16xf32> to vector<1x16xf32>
        tpu.vector_store %arg11[%swap3A_484, %swap3A_485], %swap3A_488 {strides = array<i32>} : memref<64x768xf32, #tpu.memory_space<vmem>>, vector<1x16xf32>,
        %get3A_489 = arith.index_cast %add3A_42 : i32 to index
        %get3A_490 = arith.constant 512 : index
        %get3A_491 = tpu.vector_load %arg11[%get3A_489, %get3A_490] {strides = array<i32>} : memref<64x768xf32, #tpu.memory_space<vmem>>, vector<1x16xf32>,
        %get3A_492 = vector.shape_cast %get3A_491 : vector<1x16xf32> to vector<16xf32>
        %get3A_493 = arith.index_cast %add3A_42 : i32 to index
        %get3A_494 = arith.constant 512 : index
        %get3A_495 = tpu.vector_load %arg12[%get3A_493, %get3A_494] {strides = array<i32>} : memref<64x768xf32, #tpu.memory_space<vmem>>, vector<1x16xf32>,
        %get3A_496 = vector.shape_cast %get3A_495 : vector<1x16xf32> to vector<16xf32>
        %add3A_497 = arith.addf %get3A_492, %get3A_496 : vector<16xf32>
        %swap3A_498 = arith.index_cast %add3A_42 : i32 to index
        %swap3A_499 = arith.constant 512 : index
        %swap3A_500 = tpu.vector_load %arg11[%swap3A_498, %swap3A_499] {strides = array<i32>} : memref<64x768xf32, #tpu.memory_space<vmem>>, vector<1x16xf32>,
        %swap3A_501 = vector.shape_cast %swap3A_500 : vector<1x16xf32> to vector<16xf32>
        %swap3A_502 = vector.shape_cast %add3A_497 : vector<16xf32> to vector<1x16xf32>
        tpu.vector_store %arg11[%swap3A_498, %swap3A_499], %swap3A_502 {strides = array<i32>} : memref<64x768xf32, #tpu.memory_space<vmem>>, vector<1x16xf32>,
        %get3A_503 = arith.index_cast %add3A_42 : i32 to index
        %get3A_504 = arith.constant 528 : index
        %get3A_505 = tpu.vector_load %arg11[%get3A_503, %get3A_504] {strides = array<i32>} : memref<64x768xf32, #tpu.memory_space<vmem>>, vector<1x16xf32>,
        %get3A_506 = vector.shape_cast %get3A_505 : vector<1x16xf32> to vector<16xf32>
        %get3A_507 = arith.index_cast %add3A_42 : i32 to index
        %get3A_508 = arith.constant 528 : index
        %get3A_509 = tpu.vector_load %arg12[%get3A_507, %get3A_508] {strides = array<i32>} : memref<64x768xf32, #tpu.memory_space<vmem>>, vector<1x16xf32>,
        %get3A_510 = vector.shape_cast %get3A_509 : vector<1x16xf32> to vector<16xf32>
        %add3A_511 = arith.addf %get3A_506, %get3A_510 : vector<16xf32>
        %swap3A_512 = arith.index_cast %add3A_42 : i32 to index
        %swap3A_513 = arith.constant 528 : index
        %swap3A_514 = tpu.vector_load %arg11[%swap3A_512, %swap3A_513] {strides = array<i32>} : memref<64x768xf32, #tpu.memory_space<vmem>>, vector<1x16xf32>,
        %swap3A_515 = vector.shape_cast %swap3A_514 : vector<1x16xf32> to vector<16xf32>
        %swap3A_516 = vector.shape_cast %add3A_511 : vector<16xf32> to vector<1x16xf32>
        tpu.vector_store %arg11[%swap3A_512, %swap3A_513], %swap3A_516 {strides = array<i32>} : memref<64x768xf32, #tpu.memory_space<vmem>>, vector<1x16xf32>,
        %get3A_517 = arith.index_cast %add3A_42 : i32 to index
        %get3A_518 = arith.constant 544 : index
        %get3A_519 = tpu.vector_load %arg11[%get3A_517, %get3A_518] {strides = array<i32>} : memref<64x768xf32, #tpu.memory_space<vmem>>, vector<1x16xf32>,
        %get3A_520 = vector.shape_cast %get3A_519 : vector<1x16xf32> to vector<16xf32>
        %get3A_521 = arith.index_cast %add3A_42 : i32 to index
        %get3A_522 = arith.constant 544 : index
        %get3A_523 = tpu.vector_load %arg12[%get3A_521, %get3A_522] {strides = array<i32>} : memref<64x768xf32, #tpu.memory_space<vmem>>, vector<1x16xf32>,
        %get3A_524 = vector.shape_cast %get3A_523 : vector<1x16xf32> to vector<16xf32>
        %add3A_525 = arith.addf %get3A_520, %get3A_524 : vector<16xf32>
        %swap3A_526 = arith.index_cast %add3A_42 : i32 to index
        %swap3A_527 = arith.constant 544 : index
        %swap3A_528 = tpu.vector_load %arg11[%swap3A_526, %swap3A_527] {strides = array<i32>} : memref<64x768xf32, #tpu.memory_space<vmem>>, vector<1x16xf32>,
        %swap3A_529 = vector.shape_cast %swap3A_528 : vector<1x16xf32> to vector<16xf32>
        %swap3A_530 = vector.shape_cast %add3A_525 : vector<16xf32> to vector<1x16xf32>
        tpu.vector_store %arg11[%swap3A_526, %swap3A_527], %swap3A_530 {strides = array<i32>} : memref<64x768xf32, #tpu.memory_space<vmem>>, vector<1x16xf32>,
        %get3A_531 = arith.index_cast %add3A_42 : i32 to index
        %get3A_532 = arith.constant 560 : index
        %get3A_533 = tpu.vector_load %arg11[%get3A_531, %get3A_532] {strides = array<i32>} : memref<64x768xf32, #tpu.memory_space<vmem>>, vector<1x16xf32>,
        %get3A_534 = vector.shape_cast %get3A_533 : vector<1x16xf32> to vector<16xf32>
        %get3A_535 = arith.index_cast %add3A_42 : i32 to index
        %get3A_536 = arith.constant 560 : index
        %get3A_537 = tpu.vector_load %arg12[%get3A_535, %get3A_536] {strides = array<i32>} : memref<64x768xf32, #tpu.memory_space<vmem>>, vector<1x16xf32>,
        %get3A_538 = vector.shape_cast %get3A_537 : vector<1x16xf32> to vector<16xf32>
        %add3A_539 = arith.addf %get3A_534, %get3A_538 : vector<16xf32>
        %swap3A_540 = arith.index_cast %add3A_42 : i32 to index
        %swap3A_541 = arith.constant 560 : index
        %swap3A_542 = tpu.vector_load %arg11[%swap3A_540, %swap3A_541] {strides = array<i32>} : memref<64x768xf32, #tpu.memory_space<vmem>>, vector<1x16xf32>,
        %swap3A_543 = vector.shape_cast %swap3A_542 : vector<1x16xf32> to vector<16xf32>
        %swap3A_544 = vector.shape_cast %add3A_539 : vector<16xf32> to vector<1x16xf32>
        tpu.vector_store %arg11[%swap3A_540, %swap3A_541], %swap3A_544 {strides = array<i32>} : memref<64x768xf32, #tpu.memory_space<vmem>>, vector<1x16xf32>,
        %get3A_545 = arith.index_cast %add3A_42 : i32 to index
        %get3A_546 = arith.constant 576 : index
        %get3A_547 = tpu.vector_load %arg11[%get3A_545, %get3A_546] {strides = array<i32>} : memref<64x768xf32, #tpu.memory_space<vmem>>, vector<1x16xf32>,
        %get3A_548 = vector.shape_cast %get3A_547 : vector<1x16xf32> to vector<16xf32>
        %get3A_549 = arith.index_cast %add3A_42 : i32 to index
        %get3A_550 = arith.constant 576 : index
        %get3A_551 = tpu.vector_load %arg12[%get3A_549, %get3A_550] {strides = array<i32>} : memref<64x768xf32, #tpu.memory_space<vmem>>, vector<1x16xf32>,
        %get3A_552 = vector.shape_cast %get3A_551 : vector<1x16xf32> to vector<16xf32>
        %add3A_553 = arith.addf %get3A_548, %get3A_552 : vector<16xf32>
        %swap3A_554 = arith.index_cast %add3A_42 : i32 to index
        %swap3A_555 = arith.constant 576 : index
        %swap3A_556 = tpu.vector_load %arg11[%swap3A_554, %swap3A_555] {strides = array<i32>} : memref<64x768xf32, #tpu.memory_space<vmem>>, vector<1x16xf32>,
        %swap3A_557 = vector.shape_cast %swap3A_556 : vector<1x16xf32> to vector<16xf32>
        %swap3A_558 = vector.shape_cast %add3A_553 : vector<16xf32> to vector<1x16xf32>
        tpu.vector_store %arg11[%swap3A_554, %swap3A_555], %swap3A_558 {strides = array<i32>} : memref<64x768xf32, #tpu.memory_space<vmem>>, vector<1x16xf32>,
        %get3A_559 = arith.index_cast %add3A_42 : i32 to index
        %get3A_560 = arith.constant 592 : index
        %get3A_561 = tpu.vector_load %arg11[%get3A_559, %get3A_560] {strides = array<i32>} : memref<64x768xf32, #tpu.memory_space<vmem>>, vector<1x16xf32>,
        %get3A_562 = vector.shape_cast %get3A_561 : vector<1x16xf32> to vector<16xf32>
        %get3A_563 = arith.index_cast %add3A_42 : i32 to index
        %get3A_564 = arith.constant 592 : index
        %get3A_565 = tpu.vector_load %arg12[%get3A_563, %get3A_564] {strides = array<i32>} : memref<64x768xf32, #tpu.memory_space<vmem>>, vector<1x16xf32>,
        %get3A_566 = vector.shape_cast %get3A_565 : vector<1x16xf32> to vector<16xf32>
        %add3A_567 = arith.addf %get3A_562, %get3A_566 : vector<16xf32>
        %swap3A_568 = arith.index_cast %add3A_42 : i32 to index
        %swap3A_569 = arith.constant 592 : index
        %swap3A_570 = tpu.vector_load %arg11[%swap3A_568, %swap3A_569] {strides = array<i32>} : memref<64x768xf32, #tpu.memory_space<vmem>>, vector<1x16xf32>,
        %swap3A_571 = vector.shape_cast %swap3A_570 : vector<1x16xf32> to vector<16xf32>
        %swap3A_572 = vector.shape_cast %add3A_567 : vector<16xf32> to vector<1x16xf32>
        tpu.vector_store %arg11[%swap3A_568, %swap3A_569], %swap3A_572 {strides = array<i32>} : memref<64x768xf32, #tpu.memory_space<vmem>>, vector<1x16xf32>,
        %get3A_573 = arith.index_cast %add3A_42 : i32 to index
        %get3A_574 = arith.constant 608 : index
        %get3A_575 = tpu.vector_load %arg11[%get3A_573, %get3A_574] {strides = array<i32>} : memref<64x768xf32, #tpu.memory_space<vmem>>, vector<1x16xf32>,
        %get3A_576 = vector.shape_cast %get3A_575 : vector<1x16xf32> to vector<16xf32>
        %get3A_577 = arith.index_cast %add3A_42 : i32 to index
        %get3A_578 = arith.constant 608 : index
        %get3A_579 = tpu.vector_load %arg12[%get3A_577, %get3A_578] {strides = array<i32>} : memref<64x768xf32, #tpu.memory_space<vmem>>, vector<1x16xf32>,
        %get3A_580 = vector.shape_cast %get3A_579 : vector<1x16xf32> to vector<16xf32>
        %add3A_581 = arith.addf %get3A_576, %get3A_580 : vector<16xf32>
        %swap3A_582 = arith.index_cast %add3A_42 : i32 to index
        %swap3A_583 = arith.constant 608 : index
        %swap3A_584 = tpu.vector_load %arg11[%swap3A_582, %swap3A_583] {strides = array<i32>} : memref<64x768xf32, #tpu.memory_space<vmem>>, vector<1x16xf32>,
        %swap3A_585 = vector.shape_cast %swap3A_584 : vector<1x16xf32> to vector<16xf32>
        %swap3A_586 = vector.shape_cast %add3A_581 : vector<16xf32> to vector<1x16xf32>
        tpu.vector_store %arg11[%swap3A_582, %swap3A_583], %swap3A_586 {strides = array<i32>} : memref<64x768xf32, #tpu.memory_space<vmem>>, vector<1x16xf32>,
        %get3A_587 = arith.index_cast %add3A_42 : i32 to index
        %get3A_588 = arith.constant 624 : index
        %get3A_589 = tpu.vector_load %arg11[%get3A_587, %get3A_588] {strides = array<i32>} : memref<64x768xf32, #tpu.memory_space<vmem>>, vector<1x16xf32>,
        %get3A_590 = vector.shape_cast %get3A_589 : vector<1x16xf32> to vector<16xf32>
        %get3A_591 = arith.index_cast %add3A_42 : i32 to index
        %get3A_592 = arith.constant 624 : index
        %get3A_593 = tpu.vector_load %arg12[%get3A_591, %get3A_592] {strides = array<i32>} : memref<64x768xf32, #tpu.memory_space<vmem>>, vector<1x16xf32>,
        %get3A_594 = vector.shape_cast %get3A_593 : vector<1x16xf32> to vector<16xf32>
        %add3A_595 = arith.addf %get3A_590, %get3A_594 : vector<16xf32>
        %swap3A_596 = arith.index_cast %add3A_42 : i32 to index
        %swap3A_597 = arith.constant 624 : index
        %swap3A_598 = tpu.vector_load %arg11[%swap3A_596, %swap3A_597] {strides = array<i32>} : memref<64x768xf32, #tpu.memory_space<vmem>>, vector<1x16xf32>,
        %swap3A_599 = vector.shape_cast %swap3A_598 : vector<1x16xf32> to vector<16xf32>
        %swap3A_600 = vector.shape_cast %add3A_595 : vector<16xf32> to vector<1x16xf32>
        tpu.vector_store %arg11[%swap3A_596, %swap3A_597], %swap3A_600 {strides = array<i32>} : memref<64x768xf32, #tpu.memory_space<vmem>>, vector<1x16xf32>,
        %get3A_601 = arith.index_cast %add3A_42 : i32 to index
        %get3A_602 = arith.constant 640 : index
        %get3A_603 = tpu.vector_load %arg11[%get3A_601, %get3A_602] {strides = array<i32>} : memref<64x768xf32, #tpu.memory_space<vmem>>, vector<1x16xf32>,
        %get3A_604 = vector.shape_cast %get3A_603 : vector<1x16xf32> to vector<16xf32>
        %get3A_605 = arith.index_cast %add3A_42 : i32 to index
        %get3A_606 = arith.constant 640 : index
        %get3A_607 = tpu.vector_load %arg12[%get3A_605, %get3A_606] {strides = array<i32>} : memref<64x768xf32, #tpu.memory_space<vmem>>, vector<1x16xf32>,
        %get3A_608 = vector.shape_cast %get3A_607 : vector<1x16xf32> to vector<16xf32>
        %add3A_609 = arith.addf %get3A_604, %get3A_608 : vector<16xf32>
        %swap3A_610 = arith.index_cast %add3A_42 : i32 to index
        %swap3A_611 = arith.constant 640 : index
        %swap3A_612 = tpu.vector_load %arg11[%swap3A_610, %swap3A_611] {strides = array<i32>} : memref<64x768xf32, #tpu.memory_space<vmem>>, vector<1x16xf32>,
        %swap3A_613 = vector.shape_cast %swap3A_612 : vector<1x16xf32> to vector<16xf32>
        %swap3A_614 = vector.shape_cast %add3A_609 : vector<16xf32> to vector<1x16xf32>
        tpu.vector_store %arg11[%swap3A_610, %swap3A_611], %swap3A_614 {strides = array<i32>} : memref<64x768xf32, #tpu.memory_space<vmem>>, vector<1x16xf32>,
        %get3A_615 = arith.index_cast %add3A_42 : i32 to index
        %get3A_616 = arith.constant 656 : index
        %get3A_617 = tpu.vector_load %arg11[%get3A_615, %get3A_616] {strides = array<i32>} : memref<64x768xf32, #tpu.memory_space<vmem>>, vector<1x16xf32>,
        %get3A_618 = vector.shape_cast %get3A_617 : vector<1x16xf32> to vector<16xf32>
        %get3A_619 = arith.index_cast %add3A_42 : i32 to index
        %get3A_620 = arith.constant 656 : index
        %get3A_621 = tpu.vector_load %arg12[%get3A_619, %get3A_620] {strides = array<i32>} : memref<64x768xf32, #tpu.memory_space<vmem>>, vector<1x16xf32>,
        %get3A_622 = vector.shape_cast %get3A_621 : vector<1x16xf32> to vector<16xf32>
        %add3A_623 = arith.addf %get3A_618, %get3A_622 : vector<16xf32>
        %swap3A_624 = arith.index_cast %add3A_42 : i32 to index
        %swap3A_625 = arith.constant 656 : index
        %swap3A_626 = tpu.vector_load %arg11[%swap3A_624, %swap3A_625] {strides = array<i32>} : memref<64x768xf32, #tpu.memory_space<vmem>>, vector<1x16xf32>,
        %swap3A_627 = vector.shape_cast %swap3A_626 : vector<1x16xf32> to vector<16xf32>
        %swap3A_628 = vector.shape_cast %add3A_623 : vector<16xf32> to vector<1x16xf32>
        tpu.vector_store %arg11[%swap3A_624, %swap3A_625], %swap3A_628 {strides = array<i32>} : memref<64x768xf32, #tpu.memory_space<vmem>>, vector<1x16xf32>,
        %get3A_629 = arith.index_cast %add3A_42 : i32 to index
        %get3A_630 = arith.constant 672 : index
        %get3A_631 = tpu.vector_load %arg11[%get3A_629, %get3A_630] {strides = array<i32>} : memref<64x768xf32, #tpu.memory_space<vmem>>, vector<1x16xf32>,
        %get3A_632 = vector.shape_cast %get3A_631 : vector<1x16xf32> to vector<16xf32>
        %get3A_633 = arith.index_cast %add3A_42 : i32 to index
        %get3A_634 = arith.constant 672 : index
        %get3A_635 = tpu.vector_load %arg12[%get3A_633, %get3A_634] {strides = array<i32>} : memref<64x768xf32, #tpu.memory_space<vmem>>, vector<1x16xf32>,
        %get3A_636 = vector.shape_cast %get3A_635 : vector<1x16xf32> to vector<16xf32>
        %add3A_637 = arith.addf %get3A_632, %get3A_636 : vector<16xf32>
        %swap3A_638 = arith.index_cast %add3A_42 : i32 to index
        %swap3A_639 = arith.constant 672 : index
        %swap3A_640 = tpu.vector_load %arg11[%swap3A_638, %swap3A_639] {strides = array<i32>} : memref<64x768xf32, #tpu.memory_space<vmem>>, vector<1x16xf32>,
        %swap3A_641 = vector.shape_cast %swap3A_640 : vector<1x16xf32> to vector<16xf32>
        %swap3A_642 = vector.shape_cast %add3A_637 : vector<16xf32> to vector<1x16xf32>
        tpu.vector_store %arg11[%swap3A_638, %swap3A_639], %swap3A_642 {strides = array<i32>} : memref<64x768xf32, #tpu.memory_space<vmem>>, vector<1x16xf32>,
        %get3A_643 = arith.index_cast %add3A_42 : i32 to index
        %get3A_644 = arith.constant 688 : index
        %get3A_645 = tpu.vector_load %arg11[%get3A_643, %get3A_644] {strides = array<i32>} : memref<64x768xf32, #tpu.memory_space<vmem>>, vector<1x16xf32>,
        %get3A_646 = vector.shape_cast %get3A_645 : vector<1x16xf32> to vector<16xf32>
        %get3A_647 = arith.index_cast %add3A_42 : i32 to index
        %get3A_648 = arith.constant 688 : index
        %get3A_649 = tpu.vector_load %arg12[%get3A_647, %get3A_648] {strides = array<i32>} : memref<64x768xf32, #tpu.memory_space<vmem>>, vector<1x16xf32>,
        %get3A_650 = vector.shape_cast %get3A_649 : vector<1x16xf32> to vector<16xf32>
        %add3A_651 = arith.addf %get3A_646, %get3A_650 : vector<16xf32>
        %swap3A_652 = arith.index_cast %add3A_42 : i32 to index
        %swap3A_653 = arith.constant 688 : index
        %swap3A_654 = tpu.vector_load %arg11[%swap3A_652, %swap3A_653] {strides = array<i32>} : memref<64x768xf32, #tpu.memory_space<vmem>>, vector<1x16xf32>,
        %swap3A_655 = vector.shape_cast %swap3A_654 : vector<1x16xf32> to vector<16xf32>
        %swap3A_656 = vector.shape_cast %add3A_651 : vector<16xf32> to vector<1x16xf32>
        tpu.vector_store %arg11[%swap3A_652, %swap3A_653], %swap3A_656 {strides = array<i32>} : memref<64x768xf32, #tpu.memory_space<vmem>>, vector<1x16xf32>,
        %get3A_657 = arith.index_cast %add3A_42 : i32 to index
        %get3A_658 = arith.constant 704 : index
        %get3A_659 = tpu.vector_load %arg11[%get3A_657, %get3A_658] {strides = array<i32>} : memref<64x768xf32, #tpu.memory_space<vmem>>, vector<1x16xf32>,
        %get3A_660 = vector.shape_cast %get3A_659 : vector<1x16xf32> to vector<16xf32>
        %get3A_661 = arith.index_cast %add3A_42 : i32 to index
        %get3A_662 = arith.constant 704 : index
        %get3A_663 = tpu.vector_load %arg12[%get3A_661, %get3A_662] {strides = array<i32>} : memref<64x768xf32, #tpu.memory_space<vmem>>, vector<1x16xf32>,
        %get3A_664 = vector.shape_cast %get3A_663 : vector<1x16xf32> to vector<16xf32>
        %add3A_665 = arith.addf %get3A_660, %get3A_664 : vector<16xf32>
        %swap3A_666 = arith.index_cast %add3A_42 : i32 to index
        %swap3A_667 = arith.constant 704 : index
        %swap3A_668 = tpu.vector_load %arg11[%swap3A_666, %swap3A_667] {strides = array<i32>} : memref<64x768xf32, #tpu.memory_space<vmem>>, vector<1x16xf32>,
        %swap3A_669 = vector.shape_cast %swap3A_668 : vector<1x16xf32> to vector<16xf32>
        %swap3A_670 = vector.shape_cast %add3A_665 : vector<16xf32> to vector<1x16xf32>
        tpu.vector_store %arg11[%swap3A_666, %swap3A_667], %swap3A_670 {strides = array<i32>} : memref<64x768xf32, #tpu.memory_space<vmem>>, vector<1x16xf32>,
        %get3A_671 = arith.index_cast %add3A_42 : i32 to index
        %get3A_672 = arith.constant 720 : index
        %get3A_673 = tpu.vector_load %arg11[%get3A_671, %get3A_672] {strides = array<i32>} : memref<64x768xf32, #tpu.memory_space<vmem>>, vector<1x16xf32>,
        %get3A_674 = vector.shape_cast %get3A_673 : vector<1x16xf32> to vector<16xf32>
        %get3A_675 = arith.index_cast %add3A_42 : i32 to index
        %get3A_676 = arith.constant 720 : index
        %get3A_677 = tpu.vector_load %arg12[%get3A_675, %get3A_676] {strides = array<i32>} : memref<64x768xf32, #tpu.memory_space<vmem>>, vector<1x16xf32>,
        %get3A_678 = vector.shape_cast %get3A_677 : vector<1x16xf32> to vector<16xf32>
        %add3A_679 = arith.addf %get3A_674, %get3A_678 : vector<16xf32>
        %swap3A_680 = arith.index_cast %add3A_42 : i32 to index
        %swap3A_681 = arith.constant 720 : index
        %swap3A_682 = tpu.vector_load %arg11[%swap3A_680, %swap3A_681] {strides = array<i32>} : memref<64x768xf32, #tpu.memory_space<vmem>>, vector<1x16xf32>,
        %swap3A_683 = vector.shape_cast %swap3A_682 : vector<1x16xf32> to vector<16xf32>
        %swap3A_684 = vector.shape_cast %add3A_679 : vector<16xf32> to vector<1x16xf32>
        tpu.vector_store %arg11[%swap3A_680, %swap3A_681], %swap3A_684 {strides = array<i32>} : memref<64x768xf32, #tpu.memory_space<vmem>>, vector<1x16xf32>,
        %get3A_685 = arith.index_cast %add3A_42 : i32 to index
        %get3A_686 = arith.constant 736 : index
        %get3A_687 = tpu.vector_load %arg11[%get3A_685, %get3A_686] {strides = array<i32>} : memref<64x768xf32, #tpu.memory_space<vmem>>, vector<1x16xf32>,
        %get3A_688 = vector.shape_cast %get3A_687 : vector<1x16xf32> to vector<16xf32>
        %get3A_689 = arith.index_cast %add3A_42 : i32 to index
        %get3A_690 = arith.constant 736 : index
        %get3A_691 = tpu.vector_load %arg12[%get3A_689, %get3A_690] {strides = array<i32>} : memref<64x768xf32, #tpu.memory_space<vmem>>, vector<1x16xf32>,
        %get3A_692 = vector.shape_cast %get3A_691 : vector<1x16xf32> to vector<16xf32>
        %add3A_693 = arith.addf %get3A_688, %get3A_692 : vector<16xf32>
        %swap3A_694 = arith.index_cast %add3A_42 : i32 to index
        %swap3A_695 = arith.constant 736 : index
        %swap3A_696 = tpu.vector_load %arg11[%swap3A_694, %swap3A_695] {strides = array<i32>} : memref<64x768xf32, #tpu.memory_space<vmem>>, vector<1x16xf32>,
        %swap3A_697 = vector.shape_cast %swap3A_696 : vector<1x16xf32> to vector<16xf32>
        %swap3A_698 = vector.shape_cast %add3A_693 : vector<16xf32> to vector<1x16xf32>
        tpu.vector_store %arg11[%swap3A_694, %swap3A_695], %swap3A_698 {strides = array<i32>} : memref<64x768xf32, #tpu.memory_space<vmem>>, vector<1x16xf32>,
        %get3A_699 = arith.index_cast %add3A_42 : i32 to index
        %get3A_700 = arith.constant 752 : index
        %get3A_701 = tpu.vector_load %arg11[%get3A_699, %get3A_700] {strides = array<i32>} : memref<64x768xf32, #tpu.memory_space<vmem>>, vector<1x16xf32>,
        %get3A_702 = vector.shape_cast %get3A_701 : vector<1x16xf32> to vector<16xf32>
        %get3A_703 = arith.index_cast %add3A_42 : i32 to index
        %get3A_704 = arith.constant 752 : index
        %get3A_705 = tpu.vector_load %arg12[%get3A_703, %get3A_704] {strides = array<i32>} : memref<64x768xf32, #tpu.memory_space<vmem>>, vector<1x16xf32>,
        %get3A_706 = vector.shape_cast %get3A_705 : vector<1x16xf32> to vector<16xf32>
        %add3A_707 = arith.addf %get3A_702, %get3A_706 : vector<16xf32>
        %swap3A_708 = arith.index_cast %add3A_42 : i32 to index
        %swap3A_709 = arith.constant 752 : index
        %swap3A_710 = tpu.vector_load %arg11[%swap3A_708, %swap3A_709] {strides = array<i32>} : memref<64x768xf32, #tpu.memory_space<vmem>>, vector<1x16xf32>,
        %swap3A_711 = vector.shape_cast %swap3A_710 : vector<1x16xf32> to vector<16xf32>
        %swap3A_712 = vector.shape_cast %add3A_707 : vector<16xf32> to vector<1x16xf32>
        tpu.vector_store %arg11[%swap3A_708, %swap3A_709], %swap3A_712 {strides = array<i32>} : memref<64x768xf32, #tpu.memory_space<vmem>>, vector<1x16xf32>,
      }
      %scan3A_34 = arith.constant 64 : i32
      %mul3A_35 = arith.constant 64 : i32
      %mul3A_36 = arith.muli %add3A_11, %mul3A_35 : i32
      %add3A_37 = arith.addi %mul3A_2, %mul3A_36 : i32
      "tpu.region"() ({
        %run_scoped3A = tpu.sem_alloc : memref<!tpu.dma_semaphore, #tpu.memory_space<semaphore_mem>>
        %dma_start3A_38 = arith.constant 0 : i32
        %dma_start3A_39 = tpu.memref_slice %arg7[%add3A_37, %dma_start3A_38] : memref<8192x768xf32, #tpu.memory_space<hbm>> -> memref<64x768xf32, #tpu.memory_space<hbm>>
        %dma_start3A_40 = arith.constant 0 : i32
        %dma_start3A_41 = tpu.memref_slice %arg7[%add3A_37, %dma_start3A_40] : memref<8192x768xf32, #tpu.memory_space<hbm>> -> memref<64x768xf32, #tpu.memory_space<hbm>>
        tpu.enqueue_dma source(%arg11 : memref<64x768xf32, #tpu.memory_space<vmem>>) target(%dma_start3A_41 : memref<64x768xf32, #tpu.memory_space<hbm>>) target_semaphore(%run_scoped3A : memref<!tpu.dma_semaphore, #tpu.memory_space<semaphore_mem>>)
        %dma_wait3A_42 = arith.constant 0 : i32
        %dma_wait3A_43 = tpu.memref_slice %arg7[%add3A_37, %dma_wait3A_42] : memref<8192x768xf32, #tpu.memory_space<hbm>> -> memref<64x768xf32, #tpu.memory_space<hbm>>
        %dma_wait3A_44 = arith.constant 0 : i32
        %dma_wait3A_45 = tpu.memref_slice %arg7[%add3A_37, %dma_wait3A_44] : memref<8192x768xf32, #tpu.memory_space<hbm>> -> memref<64x768xf32, #tpu.memory_space<hbm>>
        tpu.wait_dma2 semaphore(%run_scoped3A : memref<!tpu.dma_semaphore, #tpu.memory_space<semaphore_mem>>) src(%arg11 : memref<64x768xf32, #tpu.memory_space<vmem>>) dst(%dma_wait3A_45 : memref<64x768xf32, #tpu.memory_space<hbm>>)
        tpu.yield
      }) : () -> ()
    }
    %scan3A_6 = arith.constant 4 : i32
    return
  }
}

</mosaic_0001>

<sc_bundles>
// kernel: kernel.3.cloned.1.call-start
scs
__scs_entry_jumppad:
0x0: {  	(pc) =	sbr.rel $0x88, $3  }
0x1: {  	(tag) =	ssettag $0x0;
	lr =	simm.s32 $0x1  }
0x2: {  	[smem:$0x3F9C] =	sst lr;
	_ =	strace $0xD0000000  }
0x3: {  	_ = 	snop  }
0x4: {  	_ = 	snop  }
0x5: {  	_ = 	snop  }
0x6: {  	_ = 	snop  }
0x7: {  	_ = 	snop  }
__scs_overlays_trampoline_lowered:
0x8: {  	[smem:$0x3FAB] =	sst s0  }
0x9: {  	[smem:$0x3FAC] =	sst s1  }
0xa: {  	[smem:$0x3FAD] =	sst s2  }
0xb: {  	[smem:$0x3FAE] =	sst s3  }
0xc: {  	[smem:$0x3FAF] =	sst s4  }
0xd: {  	[smem:$0x3FB0] =	sst s5  }
0xe: {  	[smem:$0x3FB1] =	sst s6  }
0xf: {  	[smem:$0x3FB2] =	sst s7  }
0x10: {  	[smem:$0x3FB3] =	sst s8  }
0x11: {  	[smem:$0x3FB4] =	sst s9;
	s0 =	simm.s32 @!p0 $0x0  }
0x12: {  	s1 =	sld [smem:$0x3F9A];
	s0 =	simm.s32 @p0 $0x1  }
0x13: {  	[smem:$0x3FB5] =	sst s0;
	s0 =	simm.s32 @!p1 $0x0  }
0x14: {  	s2 =	sld [smem:$0x3F99];
	s0 =	simm.s32 @p1 $0x1  }
0x15: {  	[smem:$0x3FB6] =	sst s0;
	s0 =	simm.s32 @!p2 $0x0  }
0x16: {  	s3 =	sld [smem:$0x3FDB];
	s0 =	simm.s32 @p2 $0x1  }
0x17: {  	s4 =	simm.s32 $0x1BF5;
	[smem:$0x3FB8] =	sst s0  }
0x18: {  	s0 =	sld [smem:$0x3F9B];
	_ =	swait.ge [sflag:s4], $0x0  }
0x19: {  	s7 =	sld [smem:$0x3F9C]  }
0x1a: {  	s8 =	sadd.s32 $0xFFFFE003, lr  }
0x1b: {  	s9 =	sadd.s32 $0xFFFFFEF7, lr;
	s5 =	simm.s32 $0xFFFFFFFF;
	p2 =	slt.u32 s8, $0xFFFFF086  }
0x1c: {  	p1 =	slt.u32 s9, $0xF7A;
	s5 =	simm.s32 @!p2 $0x0  }
0x1d: {  	s5 =	simm.s32 @p1 $0x1;
	p0 =	seq.s32 s7, s2  }
0x1e: {  	s7 =	smul.u32 @!p0 $0xF7A, s2;
	p2 =	seq.s32 @!p0 s5, $0x0  }
0x1f: {  	s9 =	smul.u32 $0xF7A, s1;
	s8 =	simm.s32 @!p0 $0x1BF5;
	p2 =	por !p2, p0  }
0x20: {  	[sflag:s8] =	ssyncset.s32 @!p0 $0xFFFFF086;
	s6 =	sadd.s32 @!p0 s3, s7;
	s7 =	simm.s32 @!p0 $0x108  }
0x21: {  	s3 =	sadd.s32 s3, s9;
	s6 =	sadd.s32 @!p0 $0x88, s6;
	s7 =	simm.s32 @p2 $0x1082  }
0x22: {  	[simem:s7], [sflag:s8] =	dma.local @!p0 [hbm:s6], $0xF7A  }
0x23: {  	s9 =	sor.u32 $0xD0000000, s2;
	s6 =	simm.s32 $0x108;
	_ =	swait.ge @!p0 [sflag:s8], $0x0  }
0x24: {  	s3 =	sadd.s32 $0x88, s3;
	s6 =	simm.s32 @!p1 $0x1082;
	[sflag:s4] =	ssyncset.s32 $0xFFFFF086  }
0x25: {  	[simem:s6], [sflag:s4] =	dma.local [hbm:s3], $0xF7A  }
0x26: {  	[smem:$0x3F9C] =	sst s1;
	(tag) =	ssettag s2;
	_ =	strace s9  }
0x27: {  	s1 =	sld [smem:$0x3FAC]  }
0x28: {  	s2 =	sld [smem:$0x3FAD]  }
0x29: {  	s4 =	sld [smem:$0x3FAF]  }
0x2a: {  	p0 =	seq.s32 s5, $0x0;
	s5 =	sld [smem:$0x3FB0]  }
0x2b: {  	s6 =	sld [smem:$0x3FB1]  }
0x2c: {  	s7 =	sld [smem:$0x3FB2]  }
0x2d: {  	s3 =	simm.s32 $0x108;
	s8 =	sld [smem:$0x3FB3]  }
0x2e: {  	s3 =	simm.s32 @!p0 $0x1082;
	s9 =	sld [smem:$0x3FB4]  }
0x2f: {  	lr =	sadd.s32 s0, s3;
	s0 =	sld [smem:$0x3FAB]  }
0x30: {  	s3 =	sld [smem:$0x3FAE]  }
0x31: {  	[smem:$0x3FB7] =	sst s10  }
0x32: {  	s10 =	sld [smem:$0x3FB5];
	_ =	sdelay $0x3  }
0x33: {  	p0 =	seq.s32 s10, $0x1;
	s10 =	sld [smem:$0x3FB7];
	_ =	sdelay $0x3  }
0x34: {  	[smem:$0x3FB7] =	sst s10  }
0x35: {  	s10 =	sld [smem:$0x3FB6];
	_ =	sdelay $0x3  }
0x36: {  	p1 =	seq.s32 s10, $0x1;
	s10 =	sld [smem:$0x3FB7];
	_ =	sdelay $0x3  }
0x37: {  	[smem:$0x3FB7] =	sst s10  }
0x38: {  	s10 =	sld [smem:$0x3FB8]  }
0x39: {  	_ = 	snop;
	(pc) =	sbr.ind lr, $3  }
0x3a: {  	_ = 	snop  }
0x3b: {  	_ = 	snop  }
0x3c: {  	p2 =	seq.s32 s10, $0x1;
	s10 =	sld [smem:$0x3FB7]  }
0x3d: {  	_ =	shalt  }
0x3e: {  	_ =	shalt  }
0x3f: {  	_ =	shalt  }
0x40: {  	_ =	shalt  }
0x41: {  	_ =	shalt  }
0x42: {  	_ =	shalt  }
0x43: {  	_ =	shalt  }
0x44: {  	_ =	shalt  }
0x45: {  	_ =	shalt  }
0x46: {  	_ =	shalt  }
0x47: {  	_ =	shalt  }
0x48: {  	_ =	shalt  }
0x49: {  	_ =	shalt  }
0x4a: {  	_ =	shalt  }
0x4b: {  	_ =	shalt  }
0x4c: {  	_ =	shalt  }
0x4d: {  	_ =	shalt  }
0x4e: {  	_ =	shalt  }
0x4f: {  	_ =	shalt  }
0x50: {  	_ =	shalt  }
0x51: {  	_ =	shalt  }
0x52: {  	_ =	shalt  }
0x53: {  	_ =	shalt  }
0x54: {  	_ =	shalt  }
0x55: {  	_ =	shalt  }
0x56: {  	_ =	shalt  }
0x57: {  	_ =	shalt  }
0x58: {  	_ =	shalt  }
0x59: {  	_ =	shalt  }
0x5a: {  	_ =	shalt  }
0x5b: {  	_ =	shalt  }
0x5c: {  	_ =	shalt  }
0x5d: {  	_ =	shalt  }
0x5e: {  	_ =	shalt  }
0x5f: {  	_ =	shalt  }
0x60: {  	_ =	shalt  }
0x61: {  	_ =	shalt  }
0x62: {  	_ =	shalt  }
0x63: {  	_ =	shalt  }
0x64: {  	_ =	shalt  }
0x65: {  	_ =	shalt  }
0x66: {  	_ =	shalt  }
0x67: {  	_ =	shalt  }
0x68: {  	_ =	shalt  }
0x69: {  	_ =	shalt  }
0x6a: {  	_ =	shalt  }
0x6b: {  	_ =	shalt  }
0x6c: {  	_ =	shalt  }
0x6d: {  	_ =	shalt  }
0x6e: {  	_ =	shalt  }
0x6f: {  	_ =	shalt  }
0x70: {  	_ =	shalt  }
0x71: {  	_ =	shalt  }
0x72: {  	_ =	shalt  }
0x73: {  	_ =	shalt  }
0x74: {  	_ =	shalt  }
0x75: {  	_ =	shalt  }
0x76: {  	_ =	shalt  }
0x77: {  	_ =	shalt  }
0x78: {  	_ =	shalt  }
0x79: {  	_ =	shalt  }
0x7a: {  	_ =	shalt  }
0x7b: {  	_ =	shalt  }
0x7c: {  	_ =	shalt  }
0x7d: {  	_ =	shalt  }
0x7e: {  	_ =	shalt  }
0x7f: {  	_ =	shalt  }
0x80: {  	_ =	shalt  }
0x81: {  	_ =	shalt  }
0x82: {  	_ =	shalt  }
0x83: {  	_ =	shalt  }
0x84: {  	_ =	shalt  }
0x85: {  	_ =	shalt  }
0x86: {  	_ =	shalt  }
0x87: {  	_ =	shalt  }
.Lfunc_end0:
.L_simem_size_0:
called_computation_lowered:
.L_overlay_start_0:
0x88: {  	s2 =	sld [smem:$0x3FD9]  }
0x89: {  	s3 =	sld [smem:$0x3FFE];
	_ =	sdelay $0x1  }
0x8a: {  	s1 =	srdreg.scid  }
0x8b: {  	s0 =	sand.u32 $0x1, s1  }
0x8c: {  	s14 =	sshll.u32 s0, $0xA;
	s2 =	sadd.s32 s3, s2  }
0x8d: {  	s2 =	sadd.s32 s2, s14  }
0x8e: {  	[smem:$0x3FC3] =	sst s2  }
0x8f: {  	_ = 	snop  }
0x90: {  	s2 =	sld [smem:$0x3FD0];
	_ =	sdelay $0x1  }
0x91: {  	s15 =	sld [smem:$0x3FC6]  }
0x92: {  	s5 =	simm.s32 $0xA;
	s6 =	simm.s32 $0x10;
	s4 =	sld [smem:$0x3FC5]  }
0x93: {  	[smem:s6], [sflag:s5] =	dma.local [hbm:s2], $0x1  }
0x94: {  	_ =	swait.eq [sflag:s5], $0x1  }
0x95: {  	[sflag:s5] =	ssyncset.done $0x0  }
0x96: {  	s16 =	sld [smem:$0x10];
	[sflag:s5] =	ssyncadd.s32 $0xFFFFFFFF  }
0x97: {  	s17 =	sld [smem:$0x11];
	(tm) =	ssettm $0x1  }
0x98: {  	s18 =	sld [smem:$0x3FFB];
	_ =	sdelay $0x3  }
0x99: {  	_ =	strace s18  }
0x9a: {  	s6 =	sld [smem:$0x3FFC];
	_ =	sdelay $0x3  }
0x9b: {  	_ =	strace s6  }
0x9c: {  	s6 =	sld [smem:$0x3FFD];
	_ =	sdelay $0x3  }
0x9d: {  	_ =	strace s6  }
0x9e: {  	_ =	strace $0x8FFFFFFF  }
0x9f: {  	s19 =	sld [smem:$0x3FDB];
	_ =	sdelay $0x1  }
0xa0: {  	s7 =	simm.s32 $_scs_section_size  }
0xa1: {  	s8 =	simm.s32 $_size__tile_overlayer_lowered;
	s9 =	simm.s32 $_tile_overlayer_lowered  }
0xa2: {  	s22 =	simm.s32 $0x1BFF;
	s21 =	sshll.u32 s9, $0x1;
	s6 =	sadd.s32 s7, s19  }
0xa3: {  	s10 =	simm.s32 $0x0;
	s20 =	sshll.u32 s8, $0x1;
	s8 =	sadd.s32 s21, s6  }
0xa4: {  	[timem:s10], [sflag:s22] =	dma.local [hbm:s8], s20  }
0xa5: {  	_ =	swait.ge [sflag:s22], s20  }
0xa6: {  	s7 =	ssub.s32 $0x0, s20;
	[sflag:s22] =	ssyncset.done $0x0  }
0xa7: {  	[sflag:s22] =	ssyncadd.s32 s7;
	_ =	sdelay $0x1  }
0xa8: {  	s23 =	simm.s32 $0x1B8B  }
0xa9: {  	_ =	swait.ge [sflag:s23], $0x1  }
0xaa: {  	[sflag:s23] =	ssyncset.done $0x0  }
0xab: {  	s25 =	simm.s32 $0x1B8E;
	s24 =	sld [smem:$0x3FFE];
	[sflag:s23] =	ssyncadd.s32 $0xFFFFFFFF  }
0xac: {  	s26 =	simm.s32 $execute0_lowered;
	[smem:$0x3FD2] =	sst s25  }
0xad: {  	s8 =	sshll.u32 s26, $0x1;
	_ =	strace $0x80000046;
	[dreg:$0x1] =	wrdreg $0xFFFFFFFF  }
0xae: {  	s28 =	simm.s32 $_size_execute0_lowered;
	s6 =	sadd.s32 s6, s8;
	[dreg:$0x0] =	wrdreg $0x0  }
0xaf: {  	s8 =	sshll.u32 s28, $0x1;
	[dreg:$0x2] =	wrdreg s6  }
0xb0: {  	[dreg:$0x3] =	wrdreg s8  }
0xb1: {  	[dreg:$0x4] =	wrdreg $0xC0  }
0xb2: {  	_ =	task [dreg:s10], $0x5FFFF  }
0xb3: {  	[dreg:$0x1] =	wrdreg $0xFFFFFFFF  }
0xb4: {  	[dreg:$0x0] =	wrdreg $0x60  }
0xb5: {  	[dreg:$0x2] =	wrdreg s17  }
0xb6: {  	[dreg:$0x3] =	wrdreg s24  }
0xb7: {  	[dreg:$0x4] =	wrdreg s15  }
0xb8: {  	[dreg:$0x5] =	wrdreg s4  }
0xb9: {  	[dreg:$0x6] =	wrdreg s16  }
0xba: {  	[dreg:$0x7] =	wrdreg $0x9  }
0xbb: {  	_ =	task.clear_ibuf [dreg:s10], $0x8FFFF;
	_ =	strace $0x90000046  }
0xbc: {  	s29 =	simm.s32 $0x9;
	_ =	strace $0x80000048  }
0xbd: {  	_ =	swait.ge [sflag:s29], $0x1  }
0xbe: {  	[sflag:s29] =	ssyncadd.s32 $0xFFFFFFFF  }
0xbf: {  	_ =	strace $0x90000048  }
0xc0: {  	_ =	sfence  }
0xc1: {  	s30 =	sld [smem:$0x0];
	_ =	sdelay $0x2  }
0xc2: {  	s31 =	sshll.u32 s1, $0xD;
	s1 =	sshrl.u32 s1, $0x2  }
0xc3: {  	s3 =	sand.u32 $0x4000, s31;
	s1 =	sadd.s32 s1, s30  }
0xc4: {  	s0 =	sor.u32 s3, s0;
	s1 =	sshll.u32 s1, $0x11  }
0xc5: {  	s0 =	sor.u32 s1, s0  }
0xc6: {  	s0 =	sadd.s32 $0x8F2B, s0  }
0xc7: {  	[sflag:s0] =	ssyncadd.remote.s32 $0x1  }
0xc8: {  	_ =	sfence.sel $0xFFFF  }
0xc9: {  	[dreg:$0x0] =	wrdreg $0xFFFFFFFF;
	(pc) =	sbr.abs _section_cstart, $3  }
0xca: {  	[dreg:$0x1] =	wrdreg $0xFFFFFFFF  }
0xcb: {  	_ =	task.clear_ibuf [dreg:s10], $0x2FFFF;
	_ =	strace $0x9FFFFFFF  }
0xcc: {  	(tm) =	ssettm $0x7FFFFFFF  }
0xcd: {  	_ =	shalt  }
tec
execute0_lowered:
.L_overlay_start_1:
0x0: {  	(tag) =	ssettag $0x1  }
0x1: {  	s0 =	rddreg [dreg:$0x0]  }
0x2: {  	s2 =	rddreg [dreg:$0x1]  }
0x3: {  	s1 =	rddreg [dreg:$0x2];
	s4 =	srdreg.scid  }
0x4: {  	s3 =	rddreg [dreg:$0x3];
	s5 =	stileid.u32;
	s16 =	simm.s32 $0x2  }
0x5: {  	s18 =	simm.s32 $0x200;
	s17 =	simm.s32 $0x12200;
	s15 =	simm.s32 $0x13A00  }
0x6: {  	s13 =	simm.s32 $0x14200;
	s14 =	simm.s32 $0x14A00;
	s19 =	simm.s32 $0x15A00  }
0x7: {  	s20 =	simm.s32 $0x16200;
	s21 =	simm.s32 $0x16A00;
	s22 =	simm.s32 $0x17200  }
0x8: {  	s23 =	simm.s32 $0x17A00;
	s24 =	simm.s32 $0x1;
	s25 =	simm.s32 $0x0  }
0x9: {  	s4 =	sand.u32 $0x1, s4;
	s6 =	sshll.u32 s5, $0x9;
	s5 =	simm.s32 $0x0  }
0xa: {  	s9 =	sadd.s32 $0x100, s1;
	s10 =	sadd.s32 $0x200, s1;
	s7 =	sshll.u32 s4, $0x8  }
0xb: {  	s11 =	sadd.s32 $0x100, s3;
	s4 =	ssub.s32 $0x2, s4;
	s6 =	sor.u32 s7, s6  }
0xc: {  	[smem:$0x7FF] =	sst s5;
	s8 =	sshrl.u32 s4, $0x1;
	s7 =	sshrl.u32 s6, $0x3  }
0xd: {  	_ =	strace $0x80000047;
	s4 =	ssub.s32 s4, s8;
	s0 =	sadd.s32 s0, s7  }
0xe: {  	s2 =	sadd.s32 s7, s2;
	s31 =	smax.u32 s4, $0x1;
	[dreg:$0x6] =	wrdreg s0  }
0xf: {  	s12 =	sadd.s32 $0x200, s3;
	s28 =	sadd.s32 $0xC00, s2;
	[dreg:$0xa] =	wrdreg s31  }
0x10: {  	v2 =	vlaneseq.u32;
	s8 =	simm.s32 $0x13200;
	s29 =	sadd.s32 $0x800, s2;
	[dreg:$0x7] =	wrdreg s28  }
0x11: {  	vm0 =	vmmov $0xffff;
	v1 =	vshrl.u32 v2, $0x3;
	s7 =	simm.s32 $0x12A00;
	s30 =	sadd.s32 $0x1000, s2;
	[dreg:$0x8] =	wrdreg s29  }
0x12: {  	v0 =	vand.u32 $0x7, v2;
	v2 =	vor.u32 $0x8, v2;
	v1 =	vmul.u32 $0x8, v1;
	s4 =	simm.s32 $0x15200;
	s0 =	simm.s32 $0x11A00;
	[dreg:$0x9] =	wrdreg s30  }
.LBB2_1:
0x13: {  	[dreg:$0xb] =	wrdreg s25  }
0x14: {  	s2 =	rddreg [dreg:$0x6]  }
0x15: {  	[tilespmem:s5], [sflag:$0x2] =	stream.linear.gather [hbm4b:s2+s5], $0x100, $0x38;
	[tilespmem:$0x18300] =	vst v63  }
0x16: {  	_ =	swait.ge [sflag:s16], $0x100  }
0x17: {  	[sflag:s16] =	ssyncset.done $0x0  }
0x18: {  	s31 =	simm.s32 $0x100;
	s30 =	rddreg [dreg:$0x7];
	[sflag:s16] =	ssyncadd.s32 $0xFFFFFF00  }
0x19: {  	[tilespmem:s31], [sflag:$0x2] =	stream.linear.gather [hbm4b:s30+s5], $0x100, $0x38;
	[tilespmem:$0x18300] =	vst v63  }
0x1a: {  	_ =	swait.ge [sflag:s16], $0x100  }
0x1b: {  	[sflag:s16] =	ssyncset.done $0x0  }
0x1c: {  	s25 =	simm.s32 $0x0;
	[sflag:s16] =	ssyncadd.s32 $0xFFFFFF00  }
.LBB2_2:
0x1d: {  	s26 =	sshll.u32 s25, $0x6  }
0x1e: {  	v3 =	vld [tilespmem:s26+$0x0];
	_ =	sdelay $0x4  }
0x1f: {  	v4 =	vshrl.u32 v3, $0x3  }
0x20: {  	v4 =	vmul.u32 $0x30, v4  }
0x21: {  	v3 =	vand.u32 $0x7, v3  }
0x22: {  	v3 =	vor.u32 v3, v4  }
0x23: {  	v4 =	vperm.xlane v3, v0;
	_ =	sdelay $0x1  }
0x24: {  	v4 =	vadd.s32 v1, v4;
	_ =	sdelay $0x3  }
0x25: {  	v3 =	vperm.xlane v3, v2  }
0x26: {  	[tilespmem:s18], [sflag:$0x1] =	stream.indirect_vreg.gather [hbm4b:s1+s5], $0x80, v4, vm0, $0xb8;
	[tilespmem:$0x18300] =	vst v63  }
0x27: {  	s2 =	simm.s32 $0xA00;
	v3 =	vadd.s32 v1, v3  }
0x28: {  	[tilespmem:s2], [sflag:$0x1] =	stream.indirect_vreg.gather [hbm4b:s9+s5], $0x80, v4, vm0, $0xb8;
	[tilespmem:$0x18300] =	vst v63  }
0x29: {  	s31 =	simm.s32 $0x1200  }
0x2a: {  	[tilespmem:s31], [sflag:$0x1] =	stream.indirect_vreg.gather [hbm4b:s10+s5], $0x80, v4, vm0, $0xb8;
	[tilespmem:$0x18300] =	vst v63  }
0x2b: {  	s28 =	simm.s32 $0x1A00  }
0x2c: {  	[tilespmem:s28], [sflag:$0x1] =	stream.indirect_vreg.gather [hbm4b:s1+s5], $0x80, v3, vm0, $0xb8;
	[tilespmem:$0x18300] =	vst v63  }
0x2d: {  	s29 =	simm.s32 $0x2200  }
0x2e: {  	[tilespmem:s29], [sflag:$0x1] =	stream.indirect_vreg.gather [hbm4b:s9+s5], $0x80, v3, vm0, $0xb8;
	[tilespmem:$0x18300] =	vst v63  }
0x2f: {  	s30 =	simm.s32 $0x2A00  }
0x30: {  	[tilespmem:s30], [sflag:$0x1] =	stream.indirect_vreg.gather [hbm4b:s10+s5], $0x80, v3, vm0, $0xb8;
	[tilespmem:$0x18300] =	vst v63  }
0x31: {  	v3 =	vld [tilespmem:s26+$0x10];
	_ =	sdelay $0x4  }
0x32: {  	v57 =	vshrl.u32 v3, $0x3  }
0x33: {  	v4 =	vmul.u32 $0x30, v57  }
0x34: {  	v3 =	vand.u32 $0x7, v3  }
0x35: {  	v3 =	vor.u32 v3, v4  }
0x36: {  	v4 =	vperm.xlane v3, v0;
	_ =	sdelay $0x1  }
0x37: {  	v4 =	vadd.s32 v1, v4;
	_ =	sdelay $0x3  }
0x38: {  	s31 =	simm.s32 $0x3200;
	v3 =	vperm.xlane v3, v2  }
0x39: {  	[tilespmem:s31], [sflag:$0x1] =	stream.indirect_vreg.gather [hbm4b:s1+s5], $0x80, v4, vm0, $0xb8;
	[tilespmem:$0x18300] =	vst v63  }
0x3a: {  	s28 =	simm.s32 $0x3A00;
	v3 =	vadd.s32 v1, v3  }
0x3b: {  	[tilespmem:s28], [sflag:$0x1] =	stream.indirect_vreg.gather [hbm4b:s9+s5], $0x80, v4, vm0, $0xb8;
	[tilespmem:$0x18300] =	vst v63  }
0x3c: {  	s29 =	simm.s32 $0x4200  }
0x3d: {  	[tilespmem:s29], [sflag:$0x1] =	stream.indirect_vreg.gather [hbm4b:s10+s5], $0x80, v4, vm0, $0xb8;
	[tilespmem:$0x18300] =	vst v63  }
0x3e: {  	s30 =	simm.s32 $0x4A00  }
0x3f: {  	[tilespmem:s30], [sflag:$0x1] =	stream.indirect_vreg.gather [hbm4b:s1+s5], $0x80, v3, vm0, $0xb8;
	[tilespmem:$0x18300] =	vst v63  }
0x40: {  	s31 =	simm.s32 $0x5200  }
0x41: {  	[tilespmem:s31], [sflag:$0x1] =	stream.indirect_vreg.gather [hbm4b:s9+s5], $0x80, v3, vm0, $0xb8;
	[tilespmem:$0x18300] =	vst v63  }
0x42: {  	s28 =	simm.s32 $0x5A00  }
0x43: {  	[tilespmem:s28], [sflag:$0x1] =	stream.indirect_vreg.gather [hbm4b:s10+s5], $0x80, v3, vm0, $0xb8;
	[tilespmem:$0x18300] =	vst v63  }
0x44: {  	v3 =	vld [tilespmem:s26+$0x20];
	_ =	sdelay $0x4  }
0x45: {  	v58 =	vshrl.u32 v3, $0x3  }
0x46: {  	v4 =	vmul.u32 $0x30, v58  }
0x47: {  	v3 =	vand.u32 $0x7, v3  }
0x48: {  	v3 =	vor.u32 v3, v4  }
0x49: {  	v4 =	vperm.xlane v3, v0;
	_ =	sdelay $0x1  }
0x4a: {  	v4 =	vadd.s32 v1, v4;
	_ =	sdelay $0x3  }
0x4b: {  	s29 =	simm.s32 $0x6200;
	v3 =	vperm.xlane v3, v2  }
0x4c: {  	[tilespmem:s29], [sflag:$0x1] =	stream.indirect_vreg.gather [hbm4b:s1+s5], $0x80, v4, vm0, $0xb8;
	[tilespmem:$0x18300] =	vst v63  }
0x4d: {  	s30 =	simm.s32 $0x6A00;
	v3 =	vadd.s32 v1, v3  }
0x4e: {  	[tilespmem:s30], [sflag:$0x1] =	stream.indirect_vreg.gather [hbm4b:s9+s5], $0x80, v4, vm0, $0xb8;
	[tilespmem:$0x18300] =	vst v63  }
0x4f: {  	s31 =	simm.s32 $0x7200  }
0x50: {  	[tilespmem:s31], [sflag:$0x1] =	stream.indirect_vreg.gather [hbm4b:s10+s5], $0x80, v4, vm0, $0xb8;
	[tilespmem:$0x18300] =	vst v63  }
0x51: {  	s28 =	simm.s32 $0x7A00  }
0x52: {  	[tilespmem:s28], [sflag:$0x1] =	stream.indirect_vreg.gather [hbm4b:s1+s5], $0x80, v3, vm0, $0xb8;
	[tilespmem:$0x18300] =	vst v63  }
0x53: {  	s29 =	simm.s32 $0x8200  }
0x54: {  	[tilespmem:s29], [sflag:$0x1] =	stream.indirect_vreg.gather [hbm4b:s9+s5], $0x80, v3, vm0, $0xb8;
	[tilespmem:$0x18300] =	vst v63  }
0x55: {  	s30 =	simm.s32 $0x8A00  }
0x56: {  	[tilespmem:s30], [sflag:$0x1] =	stream.indirect_vreg.gather [hbm4b:s10+s5], $0x80, v3, vm0, $0xb8;
	[tilespmem:$0x18300] =	vst v63  }
0x57: {  	v3 =	vld [tilespmem:s26+$0x30];
	_ =	sdelay $0x4  }
0x58: {  	v59 =	vshrl.u32 v3, $0x3  }
0x59: {  	v4 =	vmul.u32 $0x30, v59  }
0x5a: {  	v3 =	vand.u32 $0x7, v3  }
0x5b: {  	v3 =	vor.u32 v3, v4  }
0x5c: {  	v4 =	vperm.xlane v3, v0;
	_ =	sdelay $0x1  }
0x5d: {  	v4 =	vadd.s32 v1, v4;
	_ =	sdelay $0x3  }
0x5e: {  	s31 =	simm.s32 $0x9200;
	v3 =	vperm.xlane v3, v2  }
0x5f: {  	[tilespmem:s31], [sflag:$0x1] =	stream.indirect_vreg.gather [hbm4b:s1+s5], $0x80, v4, vm0, $0xb8;
	[tilespmem:$0x18300] =	vst v63  }
0x60: {  	s28 =	simm.s32 $0x9A00;
	v3 =	vadd.s32 v1, v3  }
0x61: {  	[tilespmem:s28], [sflag:$0x1] =	stream.indirect_vreg.gather [hbm4b:s9+s5], $0x80, v4, vm0, $0xb8;
	[tilespmem:$0x18300] =	vst v63  }
0x62: {  	s29 =	simm.s32 $0xA200  }
0x63: {  	[tilespmem:s29], [sflag:$0x1] =	stream.indirect_vreg.gather [hbm4b:s10+s5], $0x80, v4, vm0, $0xb8;
	[tilespmem:$0x18300] =	vst v63  }
0x64: {  	s30 =	simm.s32 $0xAA00  }
0x65: {  	[tilespmem:s30], [sflag:$0x1] =	stream.indirect_vreg.gather [hbm4b:s1+s5], $0x80, v3, vm0, $0xb8;
	[tilespmem:$0x18300] =	vst v63  }
0x66: {  	s31 =	simm.s32 $0xB200  }
0x67: {  	[tilespmem:s31], [sflag:$0x1] =	stream.indirect_vreg.gather [hbm4b:s9+s5], $0x80, v3, vm0, $0xb8;
	[tilespmem:$0x18300] =	vst v63  }
0x68: {  	s28 =	simm.s32 $0xBA00  }
0x69: {  	[tilespmem:s28], [sflag:$0x1] =	stream.indirect_vreg.gather [hbm4b:s10+s5], $0x80, v3, vm0, $0xb8;
	[tilespmem:$0x18300] =	vst v63  }
0x6a: {  	v3 =	vld [tilespmem:s26+$0x100];
	_ =	sdelay $0x4  }
0x6b: {  	v60 =	vshrl.u32 v3, $0x3  }
0x6c: {  	v4 =	vmul.u32 $0x30, v60  }
0x6d: {  	v3 =	vand.u32 $0x7, v3  }
0x6e: {  	v3 =	vor.u32 v3, v4  }
0x6f: {  	v4 =	vperm.xlane v3, v0;
	_ =	sdelay $0x1  }
0x70: {  	v4 =	vadd.s32 v1, v4;
	_ =	sdelay $0x3  }
0x71: {  	s29 =	simm.s32 $0xC200;
	v3 =	vperm.xlane v3, v2  }
0x72: {  	[tilespmem:s29], [sflag:$0x1] =	stream.indirect_vreg.gather [hbm4b:s3+s5], $0x80, v4, vm0, $0xb8;
	[tilespmem:$0x18300] =	vst v63  }
0x73: {  	s30 =	simm.s32 $0xCA00;
	v3 =	vadd.s32 v1, v3  }
0x74: {  	[tilespmem:s30], [sflag:$0x1] =	stream.indirect_vreg.gather [hbm4b:s11+s5], $0x80, v4, vm0, $0xb8;
	[tilespmem:$0x18300] =	vst v63  }
0x75: {  	s31 =	simm.s32 $0xD200  }
0x76: {  	[tilespmem:s31], [sflag:$0x1] =	stream.indirect_vreg.gather [hbm4b:s12+s5], $0x80, v4, vm0, $0xb8;
	[tilespmem:$0x18300] =	vst v63  }
0x77: {  	s28 =	simm.s32 $0xDA00  }
0x78: {  	[tilespmem:s28], [sflag:$0x1] =	stream.indirect_vreg.gather [hbm4b:s3+s5], $0x80, v3, vm0, $0xb8;
	[tilespmem:$0x18300] =	vst v63  }
0x79: {  	s29 =	simm.s32 $0xE200  }
0x7a: {  	[tilespmem:s29], [sflag:$0x1] =	stream.indirect_vreg.gather [hbm4b:s11+s5], $0x80, v3, vm0, $0xb8;
	[tilespmem:$0x18300] =	vst v63  }
0x7b: {  	s30 =	simm.s32 $0xEA00  }
0x7c: {  	[tilespmem:s30], [sflag:$0x1] =	stream.indirect_vreg.gather [hbm4b:s12+s5], $0x80, v3, vm0, $0xb8;
	[tilespmem:$0x18300] =	vst v63  }
0x7d: {  	v3 =	vld [tilespmem:s26+$0x110];
	_ =	sdelay $0x4  }
0x7e: {  	v61 =	vshrl.u32 v3, $0x3  }
0x7f: {  	v4 =	vmul.u32 $0x30, v61  }
0x80: {  	v3 =	vand.u32 $0x7, v3  }
0x81: {  	v3 =	vor.u32 v3, v4  }
0x82: {  	v4 =	vperm.xlane v3, v0;
	_ =	sdelay $0x1  }
0x83: {  	v4 =	vadd.s32 v1, v4;
	_ =	sdelay $0x3  }
0x84: {  	s31 =	simm.s32 $0xF200;
	v3 =	vperm.xlane v3, v2  }
0x85: {  	[tilespmem:s31], [sflag:$0x1] =	stream.indirect_vreg.gather [hbm4b:s3+s5], $0x80, v4, vm0, $0xb8;
	[tilespmem:$0x18300] =	vst v63  }
0x86: {  	s28 =	simm.s32 $0xFA00;
	v3 =	vadd.s32 v1, v3  }
0x87: {  	[tilespmem:s28], [sflag:$0x1] =	stream.indirect_vreg.gather [hbm4b:s11+s5], $0x80, v4, vm0, $0xb8;
	[tilespmem:$0x18300] =	vst v63  }
0x88: {  	s29 =	simm.s32 $0x10200  }
0x89: {  	[tilespmem:s29], [sflag:$0x1] =	stream.indirect_vreg.gather [hbm4b:s12+s5], $0x80, v4, vm0, $0xb8;
	[tilespmem:$0x18300] =	vst v63  }
0x8a: {  	s30 =	simm.s32 $0x10A00  }
0x8b: {  	[tilespmem:s30], [sflag:$0x1] =	stream.indirect_vreg.gather [hbm4b:s3+s5], $0x80, v3, vm0, $0xb8;
	[tilespmem:$0x18300] =	vst v63  }
0x8c: {  	s31 =	simm.s32 $0x11200  }
0x8d: {  	[tilespmem:s31], [sflag:$0x1] =	stream.indirect_vreg.gather [hbm4b:s11+s5], $0x80, v3, vm0, $0xb8;
	[tilespmem:$0x18300] =	vst v63  }
0x8e: {  	_ = 	snop  }
0x8f: {  	[tilespmem:s0], [sflag:$0x1] =	stream.indirect_vreg.gather [hbm4b:s12+s5], $0x80, v3, vm0, $0xb8;
	[tilespmem:$0x18300] =	vst v63  }
0x90: {  	v3 =	vld [tilespmem:s26+$0x120];
	_ =	sdelay $0x4  }
0x91: {  	v62 =	vshrl.u32 v3, $0x3  }
0x92: {  	v4 =	vmul.u32 $0x30, v62  }
0x93: {  	v3 =	vand.u32 $0x7, v3  }
0x94: {  	v3 =	vor.u32 v3, v4  }
0x95: {  	v4 =	vperm.xlane v3, v0;
	_ =	sdelay $0x1  }
0x96: {  	v4 =	vadd.s32 v1, v4;
	_ =	sdelay $0x3  }
0x97: {  	v3 =	vperm.xlane v3, v2  }
0x98: {  	[tilespmem:s17], [sflag:$0x1] =	stream.indirect_vreg.gather [hbm4b:s3+s5], $0x80, v4, vm0, $0xb8;
	[tilespmem:$0x18300] =	vst v63  }
0x99: {  	v3 =	vadd.s32 v1, v3  }
0x9a: {  	[tilespmem:s7], [sflag:$0x1] =	stream.indirect_vreg.gather [hbm4b:s11+s5], $0x80, v4, vm0, $0xb8;
	[tilespmem:$0x18300] =	vst v63  }
0x9b: {  	_ = 	snop  }
0x9c: {  	[tilespmem:s8], [sflag:$0x1] =	stream.indirect_vreg.gather [hbm4b:s12+s5], $0x80, v4, vm0, $0xb8;
	[tilespmem:$0x18300] =	vst v63  }
0x9d: {  	_ = 	snop  }
0x9e: {  	[tilespmem:s15], [sflag:$0x1] =	stream.indirect_vreg.gather [hbm4b:s3+s5], $0x80, v3, vm0, $0xb8;
	[tilespmem:$0x18300] =	vst v63  }
0x9f: {  	_ = 	snop  }
0xa0: {  	[tilespmem:s13], [sflag:$0x1] =	stream.indirect_vreg.gather [hbm4b:s11+s5], $0x80, v3, vm0, $0xb8;
	[tilespmem:$0x18300] =	vst v63  }
0xa1: {  	_ = 	snop  }
0xa2: {  	[tilespmem:s14], [sflag:$0x1] =	stream.indirect_vreg.gather [hbm4b:s12+s5], $0x80, v3, vm0, $0xb8;
	[tilespmem:$0x18300] =	vst v63  }
0xa3: {  	v3 =	vld [tilespmem:s26+$0x130];
	_ =	sdelay $0x4  }
0xa4: {  	v63 =	vshrl.u32 v3, $0x3  }
0xa5: {  	v4 =	vmul.u32 $0x30, v63  }
0xa6: {  	v3 =	vand.u32 $0x7, v3  }
0xa7: {  	v3 =	vor.u32 v3, v4  }
0xa8: {  	v4 =	vperm.xlane v3, v0;
	_ =	sdelay $0x1  }
0xa9: {  	v4 =	vadd.s32 v1, v4;
	_ =	sdelay $0x3  }
0xaa: {  	v3 =	vperm.xlane v3, v2  }
0xab: {  	[tilespmem:s4], [sflag:$0x1] =	stream.indirect_vreg.gather [hbm4b:s3+s5], $0x80, v4, vm0, $0xb8;
	[tilespmem:$0x18300] =	vst v63  }
0xac: {  	v3 =	vadd.s32 v1, v3  }
0xad: {  	[tilespmem:s19], [sflag:$0x1] =	stream.indirect_vreg.gather [hbm4b:s11+s5], $0x80, v4, vm0, $0xb8;
	[tilespmem:$0x18300] =	vst v63  }
0xae: {  	_ = 	snop  }
0xaf: {  	[tilespmem:s20], [sflag:$0x1] =	stream.indirect_vreg.gather [hbm4b:s12+s5], $0x80, v4, vm0, $0xb8;
	[tilespmem:$0x18300] =	vst v63  }
0xb0: {  	p0 =	sne.s32 s25, $0x0  }
0xb1: {  	[tilespmem:s21], [sflag:$0x1] =	stream.indirect_vreg.gather [hbm4b:s3+s5], $0x80, v3, vm0, $0xb8;
	[tilespmem:$0x18300] =	vst v63  }
.Ltmp0:
0xb2: {  	_ = 	snop;
	(pc) =	sbr.rel @p0 .LBB2_4-.Ltmp0, $4  }
0xb3: {  	_ = 	snop  }
0xb4: {  	[tilespmem:s22], [sflag:$0x1] =	stream.indirect_vreg.gather [hbm4b:s11+s5], $0x80, v3, vm0, $0xb8;
	[tilespmem:$0x18300] =	vst v63  }
0xb5: {  	_ = 	snop  }
0xb6: {  	[tilespmem:s23], [sflag:$0x1] =	stream.indirect_vreg.gather [hbm4b:s12+s5], $0x80, v3, vm0, $0xb8;
	[tilespmem:$0x18300] =	vst v63  }
0xb7: {  	s2 =	rddreg [dreg:$0x8];
	s28 =	simm.s32 $0x18200  }
0xb8: {  	[tilespmem:s28], [sflag:$0x2] =	stream.linear.gather [hbm4b:s2+s5], $0x100, $0x38;
	[tilespmem:$0x18300] =	vst v63  }
0xb9: {  	_ =	swait.ge [sflag:s16], $0x100  }
0xba: {  	[sflag:s16] =	ssyncset.done $0x0  }
0xbb: {  	[sflag:s16] =	ssyncadd.s32 $0xFFFFFF00  }
0xbc: {  	v3 =	vld [tilespmem:$0x18200]  }
0xbd: {  	v4 =	vld [tilespmem:$0x18210]  }
0xbe: {  	v6 =	vld [tilespmem:$0x18230]  }
0xbf: {  	v5 =	vld [tilespmem:$0x18220]  }
0xc0: {  	v8 =	vld [tilespmem:$0x18250]  }
0xc1: {  	v7 =	vld [tilespmem:$0x18240];
	v3 =	vadd.f32 $-1.000000000e+00, v3  }
0xc2: {  	v10 =	vld [tilespmem:$0x18270];
	v4 =	vadd.f32 $-1.000000000e+00, v4  }
0xc3: {  	v9 =	vld [tilespmem:$0x18260];
	v6 =	vadd.f32 $-1.000000000e+00, v6;
	v3 =	vmul.f32 $1.000000000e+04, v3  }
0xc4: {  	v39 =	vld [tilespmem:$0x18290];
	v5 =	vadd.f32 $-1.000000000e+00, v5;
	v4 =	vmul.f32 $1.000000000e+04, v4  }
0xc5: {  	v11 =	vld [tilespmem:$0x18280];
	v41 =	vadd.f32 $-1.000000000e+00, v8;
	v40 =	vmul.f32 $1.000000000e+04, v6;
	[tilespmem:$0x18200] =	vst v3  }
0xc6: {  	v44 =	vld [tilespmem:$0x182B0];
	v38 =	vadd.f32 $-1.000000000e+00, v7;
	v3 =	vmul.f32 $1.000000000e+04, v5;
	[tilespmem:$0x18210] =	vst v4  }
0xc7: {  	v42 =	vld [tilespmem:$0x182A0];
	v46 =	vadd.f32 $-1.000000000e+00, v10;
	v45 =	vmul.f32 $1.000000000e+04, v41;
	[tilespmem:$0x18230] =	vst v40  }
0xc8: {  	v49 =	vld [tilespmem:$0x182D0];
	v43 =	vadd.f32 $-1.000000000e+00, v9;
	[tilespmem:$0x18220] =	vst v3;
	v3 =	vmul.f32 $1.000000000e+04, v38  }
0xc9: {  	v47 =	vld [tilespmem:$0x182C0];
	v51 =	vadd.f32 $-1.000000000e+00, v39;
	v50 =	vmul.f32 $1.000000000e+04, v46;
	[tilespmem:$0x18250] =	vst v45  }
0xca: {  	v54 =	vld [tilespmem:$0x182F0];
	v48 =	vadd.f32 $-1.000000000e+00, v11;
	[tilespmem:$0x18240] =	vst v3;
	v3 =	vmul.f32 $1.000000000e+04, v43  }
0xcb: {  	v52 =	vld [tilespmem:$0x182E0];
	v56 =	vadd.f32 $-1.000000000e+00, v44;
	v55 =	vmul.f32 $1.000000000e+04, v51;
	[tilespmem:$0x18270] =	vst v50  }
0xcc: {  	v53 =	vadd.f32 $-1.000000000e+00, v42;
	[tilespmem:$0x18260] =	vst v3;
	v3 =	vmul.f32 $1.000000000e+04, v48  }
0xcd: {  	v59 =	vadd.f32 $-1.000000000e+00, v49;
	v58 =	vmul.f32 $1.000000000e+04, v56;
	[tilespmem:$0x18290] =	vst v55  }
0xce: {  	v57 =	vadd.f32 $-1.000000000e+00, v47;
	[tilespmem:$0x18280] =	vst v3;
	v3 =	vmul.f32 $1.000000000e+04, v53  }
0xcf: {  	v62 =	vadd.f32 $-1.000000000e+00, v54;
	v61 =	vmul.f32 $1.000000000e+04, v59;
	[tilespmem:$0x182B0] =	vst v58  }
0xd0: {  	v60 =	vadd.f32 $-1.000000000e+00, v52;
	[tilespmem:$0x182A0] =	vst v3;
	v3 =	vmul.f32 $1.000000000e+04, v57  }
0xd1: {  	v63 =	vmul.f32 $1.000000000e+04, v62;
	[tilespmem:$0x182D0] =	vst v61  }
0xd2: {  	[tilespmem:$0x182C0] =	vst v3;
	v3 =	vmul.f32 $1.000000000e+04, v60  }
0xd3: {  	[tilespmem:$0x182F0] =	vst v63  }
0xd4: {  	s31 =	rddreg [dreg:$0x9];
	[tilespmem:$0x182E0] =	vst v3  }
0xd5: {  	[hbm4b:s31+s5] =	stream.linear.scatter [tilespmem:s28], [sflag:$0x2], $0x100, $0x38;
	[tilespmem:$0x18300] =	vst v63  }
0xd6: {  	_ =	swait.ge [sflag:s16], $0x100  }
0xd7: {  	[sflag:s16] =	ssyncset.done $0x0  }
0xd8: {  	[sflag:s16] =	ssyncadd.s32 $0xFFFFFF00  }
.LBB2_4:
0xd9: {  	_ =	swait.ge [sflag:s24], $0xC000  }
0xda: {  	[sflag:s24] =	ssyncset.done $0x0  }
0xdb: {  	s28 =	simm.s32 $0x0;
	[sflag:s24] =	ssyncadd.s32 $0xFFFF4000  }
0xdc: {  	s29 =	simm.s32 $0x0;
	s28 =	smul.u32 $0x1800, s28;
	_ =	swait.ge [sflag:s24], $0xC000  }
0xdd: {  	s30 =	sand.u32 $0x380, s29;
	[sflag:s24] =	ssyncset.done $0x0  }
0xde: {  	s28 =	sor.u32 s30, s28;
	[sflag:s24] =	ssyncadd.s32 $0xFFFF4000  }
0xdf: {  	v12 =	vld [tilespmem:s28+$0xC200]  }
0xe0: {  	v13 =	vld [tilespmem:s28+$0xC210]  }
0xe1: {  	v14 =	vld [tilespmem:s28+$0xC220]  }
0xe2: {  	v15 =	vld [tilespmem:s28+$0xC230]  }
0xe3: {  	v16 =	vld [tilespmem:s28+$0xC240]  }
0xe4: {  	v17 =	vld [tilespmem:s28+$0xC250]  }
0xe5: {  	v18 =	vld [tilespmem:s28+$0xC260]  }
0xe6: {  	v19 =	vld [tilespmem:s28+$0xC270]  }
0xe7: {  	v20 =	vld [tilespmem:s28+$0xC600]  }
0xe8: {  	v21 =	vld [tilespmem:s28+$0xC610]  }
0xe9: {  	v22 =	vld [tilespmem:s28+$0xC620]  }
0xea: {  	v23 =	vld [tilespmem:s28+$0xC630]  }
0xeb: {  	v24 =	vld [tilespmem:s28+$0xC640]  }
0xec: {  	v25 =	vld [tilespmem:s28+$0xC650]  }
0xed: {  	v26 =	vld [tilespmem:s28+$0xC660]  }
0xee: {  	v27 =	vld [tilespmem:s28+$0xC670]  }
0xef: {  	v28 =	vld [tilespmem:s28+$0xCA00]  }
0xf0: {  	v29 =	vld [tilespmem:s28+$0xCA10]  }
0xf1: {  	v30 =	vld [tilespmem:s28+$0xCA20]  }
0xf2: {  	v31 =	vld [tilespmem:s28+$0xCA30]  }
0xf3: {  	v32 =	vld [tilespmem:s28+$0xCA40]  }
0xf4: {  	v33 =	vld [tilespmem:s28+$0xCA50]  }
0xf5: {  	v34 =	vld [tilespmem:s28+$0xCA60]  }
0xf6: {  	v35 =	vld [tilespmem:s28+$0xCA70]  }
0xf7: {  	v36 =	vld [tilespmem:s28+$0xCE00]  }
0xf8: {  	v37 =	vld [tilespmem:s28+$0xCE10]  }
0xf9: {  	v38 =	vld [tilespmem:s28+$0xCE20]  }
0xfa: {  	v39 =	vld [tilespmem:s28+$0xCE30]  }
0xfb: {  	v40 =	vld [tilespmem:s28+$0xCE40]  }
0xfc: {  	v41 =	vld [tilespmem:s28+$0xCE50]  }
0xfd: {  	v42 =	vld [tilespmem:s28+$0xCE60]  }
0xfe: {  	v43 =	vld [tilespmem:s28+$0xCE70]  }
0xff: {  	v44 =	vld [tilespmem:s28+$0xD200]  }
0x100: {  	v45 =	vld [tilespmem:s28+$0xD210]  }
0x101: {  	v46 =	vld [tilespmem:s28+$0xD220]  }
0x102: {  	v47 =	vld [tilespmem:s28+$0xD230]  }
0x103: {  	v48 =	vld [tilespmem:s28+$0xD240]  }
0x104: {  	v49 =	vld [tilespmem:s28+$0xD250]  }
0x105: {  	v50 =	vld [tilespmem:s28+$0xD260]  }
0x106: {  	v11 =	vld [tilespmem:s28+$0xD270]  }
0x107: {  	v10 =	vld [tilespmem:s28+$0xD600]  }
0x108: {  	v9 =	vld [tilespmem:s28+$0xD610]  }
0x109: {  	v8 =	vld [tilespmem:s28+$0xD620]  }
0x10a: {  	v7 =	vld [tilespmem:s28+$0xD630]  }
0x10b: {  	v6 =	vld [tilespmem:s28+$0xD640]  }
0x10c: {  	v51 =	vld [tilespmem:s28+$0x200]  }
0x10d: {  	v52 =	vld [tilespmem:s28+$0x210]  }
0x10e: {  	v53 =	vld [tilespmem:s28+$0x220]  }
0x10f: {  	v54 =	vld [tilespmem:s28+$0x230]  }
0x110: {  	v55 =	vld [tilespmem:s28+$0x240]  }
0x111: {  	v62 =	vld [tilespmem:s28+$0x250];
	v12 =	vadd.f32 v12, v51  }
0x112: {  	v63 =	vld [tilespmem:s28+$0x260];
	v13 =	vadd.f32 v13, v52  }
0x113: {  	[tilespmem:s28+$0x200] =	vst v12;
	v12 =	vadd.f32 v14, v53;
	v14 =	vld [tilespmem:s28+$0x270]  }
0x114: {  	[tilespmem:s28+$0x210] =	vst v13;
	v13 =	vadd.f32 v15, v54;
	v15 =	vld [tilespmem:s28+$0x600]  }
0x115: {  	[tilespmem:s28+$0x220] =	vst v12;
	v12 =	vadd.f32 v16, v55;
	v16 =	vld [tilespmem:s28+$0x610]  }
0x116: {  	[tilespmem:s28+$0x230] =	vst v13;
	v13 =	vadd.f32 v17, v62;
	v17 =	vld [tilespmem:s28+$0x620]  }
0x117: {  	v5 =	vld [tilespmem:s28+$0xD650]  }
0x118: {  	[tilespmem:s28+$0x240] =	vst v12;
	v12 =	vadd.f32 v18, v63;
	v18 =	vld [tilespmem:s28+$0x670]  }
0x119: {  	[tilespmem:s28+$0x250] =	vst v13;
	v13 =	vadd.f32 v19, v14;
	v14 =	vld [tilespmem:s28+$0x630]  }
0x11a: {  	[tilespmem:s28+$0x260] =	vst v12;
	v12 =	vadd.f32 v20, v15;
	v15 =	vld [tilespmem:s28+$0x640]  }
0x11b: {  	[tilespmem:s28+$0x270] =	vst v13;
	v13 =	vadd.f32 v21, v16;
	v16 =	vadd.f32 v22, v17;
	v17 =	vld [tilespmem:s28+$0x660]  }
0x11c: {  	[tilespmem:s28+$0x600] =	vst v12;
	v12 =	vld [tilespmem:s28+$0x650]  }
0x11d: {  	[tilespmem:s28+$0x610] =	vst v13;
	v13 =	vld [tilespmem:s28+$0xA00];
	v18 =	vadd.f32 v27, v18  }
0x11e: {  	[tilespmem:s28+$0x620] =	vst v16;
	v16 =	vld [tilespmem:s28+$0xA10];
	v14 =	vadd.f32 v23, v14  }
0x11f: {  	v4 =	vld [tilespmem:s28+$0xD660];
	v15 =	vadd.f32 v24, v15;
	[tilespmem:s28+$0x670] =	vst v18  }
0x120: {  	[tilespmem:s28+$0x630] =	vst v14;
	v14 =	vld [tilespmem:s28+$0xA20];
	v17 =	vadd.f32 v26, v17  }
0x121: {  	v12 =	vadd.f32 v25, v12;
	[tilespmem:s28+$0x640] =	vst v15;
	v15 =	vld [tilespmem:s28+$0xA30]  }
0x122: {  	v18 =	vld [tilespmem:s28+$0xA70];
	[tilespmem:s28+$0x660] =	vst v17;
	v13 =	vadd.f32 v28, v13  }
0x123: {  	v16 =	vadd.f32 v29, v16;
	[tilespmem:s28+$0x650] =	vst v12;
	v12 =	vld [tilespmem:s28+$0xA40]  }
0x124: {  	v17 =	vld [tilespmem:s28+$0xA50];
	[tilespmem:s28+$0xA00] =	vst v13  }
0x125: {  	[tilespmem:s28+$0xA10] =	vst v16;
	v16 =	vld [tilespmem:s28+$0xA60];
	v13 =	vadd.f32 v30, v14  }
0x126: {  	v14 =	vld [tilespmem:s28+$0xE00];
	v15 =	vadd.f32 v31, v15  }
0x127: {  	[tilespmem:s28+$0xA20] =	vst v13;
	v13 =	vld [tilespmem:s28+$0xE10]  }
0x128: {  	v12 =	vadd.f32 v32, v12;
	[tilespmem:s28+$0xA30] =	vst v15;
	v15 =	vld [tilespmem:s28+$0xE20]  }
0x129: {  	v3 =	vld [tilespmem:s28+$0xD670];
	v17 =	vadd.f32 v33, v17  }
0x12a: {  	v16 =	vadd.f32 v34, v16;
	[tilespmem:s28+$0xA40] =	vst v12;
	v12 =	vld [tilespmem:s28+$0xE30]  }
0x12b: {  	[tilespmem:s28+$0xA50] =	vst v17;
	v17 =	vld [tilespmem:s28+$0xE40];
	v14 =	vadd.f32 v36, v14  }
0x12c: {  	v18 =	vadd.f32 v35, v18;
	[tilespmem:s28+$0xA60] =	vst v16;
	v16 =	vld [tilespmem:s28+$0xE50]  }
0x12d: {  	v13 =	vadd.f32 v37, v13;
	[tilespmem:s28+$0xE00] =	vst v14;
	v14 =	vadd.f32 v38, v15;
	v15 =	vld [tilespmem:s28+$0xE60]  }
0x12e: {  	[tilespmem:s28+$0xA70] =	vst v18;
	v18 =	vld [tilespmem:s28+$0xE70]  }
0x12f: {  	[tilespmem:s28+$0xE10] =	vst v13;
	v13 =	vld [tilespmem:s28+$0x1200];
	v12 =	vadd.f32 v39, v12  }
0x130: {  	v17 =	vadd.f32 v40, v17;
	[tilespmem:s28+$0xE20] =	vst v14;
	v14 =	vld [tilespmem:s28+$0x1210]  }
0x131: {  	v16 =	vadd.f32 v41, v16;
	[tilespmem:s28+$0xE30] =	vst v12;
	v12 =	vld [tilespmem:s28+$0x1220]  }
0x132: {  	[tilespmem:s28+$0xE40] =	vst v17;
	v17 =	vld [tilespmem:s28+$0x1230];
	v15 =	vadd.f32 v42, v15  }
0x133: {  	v19 =	vld [tilespmem:s28+$0x1240];
	[tilespmem:s28+$0xE50] =	vst v16;
	v16 =	vadd.f32 v43, v18  }
0x134: {  	v18 =	vld [tilespmem:s28+$0x1250];
	v13 =	vadd.f32 v44, v13;
	[tilespmem:s28+$0xE60] =	vst v15  }
0x135: {  	v20 =	vld [tilespmem:s28+$0x1260];
	[tilespmem:s28+$0xE70] =	vst v16;
	v14 =	vadd.f32 v45, v14  }
0x136: {  	v16 =	vld [tilespmem:s28+$0x1270];
	[tilespmem:s28+$0x1200] =	vst v13;
	v12 =	vadd.f32 v46, v12  }
0x137: {  	v15 =	vld [tilespmem:s28+$0x1600];
	v13 =	vadd.f32 v47, v17;
	[tilespmem:s28+$0x1210] =	vst v14  }
0x138: {  	v14 =	vld [tilespmem:s28+$0x1610];
	[tilespmem:s28+$0x1220] =	vst v12;
	v12 =	vadd.f32 v48, v19  }
0x139: {  	[tilespmem:s28+$0x1230] =	vst v13;
	v13 =	vld [tilespmem:s28+$0x1620];
	v18 =	vadd.f32 v49, v18  }
0x13a: {  	s30 =	simm.s32 $0x1;
	v17 =	vadd.f32 v50, v20;
	[tilespmem:s28+$0x1240] =	vst v12;
	v12 =	vld [tilespmem:s28+$0x1630]  }
.LBB2_5:
0x13b: {  	s31 =	sshrl.u32 s30, $0x3;
	p0 =	sne.s32 s30, $0x3F;
	[tilespmem:s28+$0x1250] =	vst v18;
	v11 =	vadd.f32 v11, v16;
	v16 =	vld [tilespmem:s28+$0x1640]  }
0x13c: {  	s29 =	sadd.s32 $0x80, s29;
	s31 =	smul.u32 $0x1800, s31;
	[tilespmem:s28+$0x1260] =	vst v17;
	v10 =	vadd.f32 v10, v15;
	v15 =	vld [tilespmem:s28+$0x1650]  }
0x13d: {  	s2 =	sand.u32 $0x380, s29;
	[tilespmem:s28+$0x1270] =	vst v11;
	v9 =	vadd.f32 v9, v14;
	v11 =	vld [tilespmem:s28+$0x1660]  }
0x13e: {  	s2 =	sor.u32 s2, s31;
	[tilespmem:s28+$0x1600] =	vst v10;
	v8 =	vadd.f32 v8, v13;
	v10 =	vld [tilespmem:s28+$0x1670]  }
0x13f: {  	v39 =	vld [tilespmem:s2+$0xC200];
	[tilespmem:s28+$0x1610] =	vst v9;
	v7 =	vadd.f32 v7, v12  }
0x140: {  	v40 =	vld [tilespmem:s2+$0xC210];
	[tilespmem:s28+$0x1620] =	vst v8;
	v6 =	vadd.f32 v6, v16  }
0x141: {  	v41 =	vld [tilespmem:s2+$0xC220];
	[tilespmem:s28+$0x1630] =	vst v7;
	v5 =	vadd.f32 v5, v15  }
0x142: {  	v42 =	vld [tilespmem:s2+$0xC230];
	[tilespmem:s28+$0x1640] =	vst v6;
	v4 =	vadd.f32 v4, v11  }
0x143: {  	v43 =	vld [tilespmem:s2+$0xC240];
	[tilespmem:s28+$0x1650] =	vst v5;
	v3 =	vadd.f32 v3, v10  }
0x144: {  	v44 =	vld [tilespmem:s2+$0xC250];
	[tilespmem:s28+$0x1660] =	vst v4  }
0x145: {  	v45 =	vld [tilespmem:s2+$0xC260];
	[tilespmem:s28+$0x1670] =	vst v3;
	s28 =	smov.u32 s2  }
0x146: {  	v46 =	vld [tilespmem:s28+$0xC270]  }
0x147: {  	v47 =	vld [tilespmem:s28+$0xC600]  }
0x148: {  	v48 =	vld [tilespmem:s28+$0xC610]  }
0x149: {  	v49 =	vld [tilespmem:s28+$0xC620]  }
0x14a: {  	v50 =	vld [tilespmem:s28+$0xC630]  }
0x14b: {  	v38 =	vld [tilespmem:s28+$0xC640]  }
0x14c: {  	v37 =	vld [tilespmem:s28+$0xC650]  }
0x14d: {  	v36 =	vld [tilespmem:s28+$0xC660]  }
0x14e: {  	v35 =	vld [tilespmem:s28+$0xC670]  }
0x14f: {  	v34 =	vld [tilespmem:s28+$0xCA00]  }
0x150: {  	v33 =	vld [tilespmem:s28+$0xCA10]  }
0x151: {  	v32 =	vld [tilespmem:s28+$0xCA20]  }
0x152: {  	v31 =	vld [tilespmem:s28+$0xCA30]  }
0x153: {  	v30 =	vld [tilespmem:s28+$0xCA40]  }
0x154: {  	v29 =	vld [tilespmem:s28+$0xCA50]  }
0x155: {  	v28 =	vld [tilespmem:s28+$0xCA60]  }
0x156: {  	v27 =	vld [tilespmem:s28+$0xCA70]  }
0x157: {  	v26 =	vld [tilespmem:s28+$0xCE00]  }
0x158: {  	v25 =	vld [tilespmem:s28+$0xCE10]  }
0x159: {  	v24 =	vld [tilespmem:s28+$0xCE20]  }
0x15a: {  	v23 =	vld [tilespmem:s28+$0xCE30]  }
0x15b: {  	v22 =	vld [tilespmem:s28+$0xCE40]  }
0x15c: {  	v21 =	vld [tilespmem:s28+$0xCE50]  }
0x15d: {  	v20 =	vld [tilespmem:s28+$0xCE60]  }
0x15e: {  	v19 =	vld [tilespmem:s28+$0xCE70]  }
0x15f: {  	v18 =	vld [tilespmem:s28+$0xD200]  }
0x160: {  	v17 =	vld [tilespmem:s28+$0xD210]  }
0x161: {  	v16 =	vld [tilespmem:s28+$0xD220]  }
0x162: {  	v15 =	vld [tilespmem:s28+$0xD230]  }
0x163: {  	v14 =	vld [tilespmem:s28+$0xD240]  }
0x164: {  	v13 =	vld [tilespmem:s28+$0xD250]  }
0x165: {  	v12 =	vld [tilespmem:s28+$0xD260]  }
0x166: {  	v11 =	vld [tilespmem:s28+$0xD270]  }
0x167: {  	v10 =	vld [tilespmem:s28+$0xD600]  }
0x168: {  	v9 =	vld [tilespmem:s28+$0xD610]  }
0x169: {  	v8 =	vld [tilespmem:s28+$0xD620]  }
0x16a: {  	v7 =	vld [tilespmem:s28+$0xD630]  }
0x16b: {  	v6 =	vld [tilespmem:s28+$0xD640]  }
0x16c: {  	v5 =	vld [tilespmem:s28+$0xD650]  }
0x16d: {  	v4 =	vld [tilespmem:s28+$0xD660]  }
0x16e: {  	v3 =	vld [tilespmem:s28+$0xD670]  }
0x16f: {  	v51 =	vld [tilespmem:s28+$0x200]  }
0x170: {  	v52 =	vld [tilespmem:s28+$0x210]  }
0x171: {  	v53 =	vld [tilespmem:s28+$0x220]  }
0x172: {  	v54 =	vld [tilespmem:s28+$0x230]  }
0x173: {  	v55 =	vld [tilespmem:s28+$0x240]  }
0x174: {  	v39 =	vadd.f32 v39, v51;
	v51 =	vld [tilespmem:s28+$0x250]  }
0x175: {  	v40 =	vadd.f32 v40, v52;
	v52 =	vld [tilespmem:s28+$0x260]  }
0x176: {  	[tilespmem:s28+$0x200] =	vst v39;
	v39 =	vadd.f32 v41, v53;
	v41 =	vld [tilespmem:s28+$0x270]  }
0x177: {  	[tilespmem:s28+$0x210] =	vst v40;
	v40 =	vadd.f32 v42, v54;
	v42 =	vld [tilespmem:s28+$0x600]  }
0x178: {  	[tilespmem:s28+$0x220] =	vst v39;
	v39 =	vadd.f32 v43, v55;
	v43 =	vld [tilespmem:s28+$0x610]  }
0x179: {  	[tilespmem:s28+$0x230] =	vst v40;
	v40 =	vadd.f32 v44, v51;
	v44 =	vld [tilespmem:s28+$0x620]  }
0x17a: {  	[tilespmem:s28+$0x240] =	vst v39;
	v39 =	vadd.f32 v45, v52;
	v45 =	vld [tilespmem:s28+$0x630]  }
0x17b: {  	[tilespmem:s28+$0x250] =	vst v40;
	v40 =	vadd.f32 v46, v41;
	v41 =	vld [tilespmem:s28+$0x640]  }
0x17c: {  	[tilespmem:s28+$0x260] =	vst v39;
	v39 =	vadd.f32 v47, v42;
	v42 =	vld [tilespmem:s28+$0x650]  }
0x17d: {  	[tilespmem:s28+$0x270] =	vst v40;
	v40 =	vadd.f32 v48, v43;
	v43 =	vld [tilespmem:s28+$0x660]  }
0x17e: {  	[tilespmem:s28+$0x600] =	vst v39;
	v39 =	vadd.f32 v49, v44;
	v44 =	vld [tilespmem:s28+$0x670]  }
0x17f: {  	[tilespmem:s28+$0x610] =	vst v40;
	v40 =	vadd.f32 v50, v45;
	v45 =	vld [tilespmem:s28+$0xA00]  }
0x180: {  	[tilespmem:s28+$0x620] =	vst v39;
	v38 =	vadd.f32 v38, v41;
	v39 =	vld [tilespmem:s28+$0xA10]  }
0x181: {  	[tilespmem:s28+$0x630] =	vst v40;
	v37 =	vadd.f32 v37, v42;
	v40 =	vld [tilespmem:s28+$0xA20]  }
0x182: {  	[tilespmem:s28+$0x640] =	vst v38;
	v36 =	vadd.f32 v36, v43;
	v38 =	vld [tilespmem:s28+$0xA30]  }
0x183: {  	[tilespmem:s28+$0x650] =	vst v37;
	v35 =	vadd.f32 v35, v44;
	v37 =	vld [tilespmem:s28+$0xA40]  }
0x184: {  	[tilespmem:s28+$0x660] =	vst v36;
	v34 =	vadd.f32 v34, v45;
	v36 =	vld [tilespmem:s28+$0xA50]  }
0x185: {  	[tilespmem:s28+$0x670] =	vst v35;
	v33 =	vadd.f32 v33, v39;
	v35 =	vld [tilespmem:s28+$0xA60]  }
0x186: {  	[tilespmem:s28+$0xA00] =	vst v34;
	v32 =	vadd.f32 v32, v40;
	v34 =	vld [tilespmem:s28+$0xA70]  }
0x187: {  	[tilespmem:s28+$0xA10] =	vst v33;
	v31 =	vadd.f32 v31, v38;
	v33 =	vld [tilespmem:s28+$0xE00]  }
0x188: {  	[tilespmem:s28+$0xA20] =	vst v32;
	v30 =	vadd.f32 v30, v37;
	v32 =	vld [tilespmem:s28+$0xE10]  }
0x189: {  	[tilespmem:s28+$0xA30] =	vst v31;
	v29 =	vadd.f32 v29, v36;
	v31 =	vld [tilespmem:s28+$0xE20]  }
0x18a: {  	[tilespmem:s28+$0xA40] =	vst v30;
	v28 =	vadd.f32 v28, v35;
	v30 =	vld [tilespmem:s28+$0xE30]  }
0x18b: {  	[tilespmem:s28+$0xA50] =	vst v29;
	v27 =	vadd.f32 v27, v34;
	v29 =	vld [tilespmem:s28+$0xE40]  }
0x18c: {  	[tilespmem:s28+$0xA60] =	vst v28;
	v26 =	vadd.f32 v26, v33;
	v28 =	vld [tilespmem:s28+$0xE50]  }
0x18d: {  	[tilespmem:s28+$0xA70] =	vst v27;
	v25 =	vadd.f32 v25, v32;
	v27 =	vld [tilespmem:s28+$0xE60]  }
0x18e: {  	[tilespmem:s28+$0xE00] =	vst v26;
	v24 =	vadd.f32 v24, v31;
	v26 =	vld [tilespmem:s28+$0xE70]  }
0x18f: {  	[tilespmem:s28+$0xE10] =	vst v25;
	v23 =	vadd.f32 v23, v30;
	v25 =	vld [tilespmem:s28+$0x1200]  }
0x190: {  	[tilespmem:s28+$0xE20] =	vst v24;
	v22 =	vadd.f32 v22, v29;
	v24 =	vld [tilespmem:s28+$0x1210]  }
0x191: {  	[tilespmem:s28+$0xE30] =	vst v23;
	v21 =	vadd.f32 v21, v28;
	v23 =	vld [tilespmem:s28+$0x1220]  }
0x192: {  	[tilespmem:s28+$0xE40] =	vst v22;
	v20 =	vadd.f32 v20, v27;
	v22 =	vld [tilespmem:s28+$0x1230]  }
0x193: {  	[tilespmem:s28+$0xE50] =	vst v21;
	v19 =	vadd.f32 v19, v26;
	v21 =	vld [tilespmem:s28+$0x1240]  }
0x194: {  	[tilespmem:s28+$0xE60] =	vst v20;
	v18 =	vadd.f32 v18, v25;
	v20 =	vld [tilespmem:s28+$0x1250]  }
0x195: {  	[tilespmem:s28+$0xE70] =	vst v19;
	v17 =	vadd.f32 v17, v24;
	v19 =	vld [tilespmem:s28+$0x1260]  }
.Ltmp1:
0x196: {  	[tilespmem:s28+$0x1200] =	vst v18;
	v18 =	vadd.f32 v16, v23;
	v16 =	vld [tilespmem:s28+$0x1270];
	(pc) =	sbr.rel @p0 .LBB2_5-.Ltmp1, $4  }
0x197: {  	[tilespmem:s28+$0x1210] =	vst v17;
	v17 =	vadd.f32 v15, v22;
	v15 =	vld [tilespmem:s28+$0x1600]  }
0x198: {  	[tilespmem:s28+$0x1220] =	vst v18;
	v21 =	vadd.f32 v14, v21;
	v14 =	vld [tilespmem:s28+$0x1610]  }
0x199: {  	[tilespmem:s28+$0x1230] =	vst v17;
	v18 =	vadd.f32 v13, v20;
	v13 =	vld [tilespmem:s28+$0x1620]  }
0x19a: {  	s30 =	sadd.s32 $0x1, s30;
	[tilespmem:s28+$0x1240] =	vst v21;
	v17 =	vadd.f32 v12, v19;
	v12 =	vld [tilespmem:s28+$0x1630]  }
0x19b: {  	[tilespmem:s28+$0x1250] =	vst v18;
	v60 =	vld [tilespmem:s28+$0x1640];
	v11 =	vadd.f32 v11, v16  }
0x19c: {  	v61 =	vld [tilespmem:s28+$0x1650];
	[tilespmem:s28+$0x1260] =	vst v17;
	v10 =	vadd.f32 v10, v15  }
0x19d: {  	v62 =	vld [tilespmem:s28+$0x1660];
	[tilespmem:s28+$0x1270] =	vst v11;
	v9 =	vadd.f32 v9, v14  }
0x19e: {  	v63 =	vld [tilespmem:s28+$0x1670];
	[tilespmem:s28+$0x1600] =	vst v10;
	v8 =	vadd.f32 v8, v13  }
0x19f: {  	[tilespmem:s28+$0x1610] =	vst v9;
	v7 =	vadd.f32 v7, v12  }
0x1a0: {  	[tilespmem:s28+$0x1620] =	vst v8;
	v6 =	vadd.f32 v6, v60  }
0x1a1: {  	s2 =	sor.u32 s6, s26;
	v5 =	vadd.f32 v5, v61;
	[tilespmem:s28+$0x1630] =	vst v7  }
0x1a2: {  	s2 =	sshrl.u32 s2, $0x3;
	v4 =	vadd.f32 v4, v62;
	[tilespmem:s28+$0x1640] =	vst v6  }
0x1a3: {  	s25 =	sadd.s32 $0x1, s25;
	s2 =	smul.u32 $0x300, s2;
	v3 =	vadd.f32 v3, v63;
	[tilespmem:s28+$0x1650] =	vst v5  }
0x1a4: {  	s31 =	rddreg [dreg:$0x4];
	p0 =	sne.s32 s25, $0x4;
	[tilespmem:s28+$0x1660] =	vst v4  }
.Ltmp2:
0x1a5: {  	s2 =	sadd.s32 s31, s2;
	[tilespmem:s28+$0x1670] =	vst v3;
	(pc) =	sbr.rel @p0 .LBB2_2-.Ltmp2, $4  }
0x1a6: {  	[hbm4b:s2+s5] =	stream.linear.scatter [tilespmem:s18], [sflag:$0x2], $0xC000, $0x38;
	[tilespmem:$0x18300] =	vst v63  }
0x1a7: {  	_ =	swait.ge [sflag:s16], $0xC000  }
0x1a8: {  	[sflag:s16] =	ssyncset.done $0x0  }
0x1a9: {  	[sflag:s16] =	ssyncadd.s32 $0xFFFF4000  }
0x1aa: {  	s25 =	rddreg [dreg:$0xb]  }
0x1ab: {  	s2 =	rddreg [dreg:$0xa];
	s25 =	sadd.s32 $0x1, s25  }
0x1ac: {  	p0 =	sne.s32 s25, s2  }
.Ltmp3:
0x1ad: {  	_ = 	snop;
	(pc) =	sbr.rel @p0 .LBB2_1-.Ltmp3, $1  }
0x1ae: {  	_ =	sdelay $0x3  }
0x1af: {  	_ =	sfence.sel $0x180000  }
0x1b0: {  	[bflag:$0x0] =	sbarrier.arrive $0xFFFF  }
0x1b1: {  	_ =	strace $0x90000047  }
0x1b2: {  	s0 =	stileid.u32;
	[bflag:$0x2] =	sbarrier.arrive $0xFFFF  }
0x1b3: {  	p0 =	sne.s32 s0, $0x0;
	s0 =	rddreg [dreg:$0x5]  }
0x1b4: {  	s0 =	sadd.s32 @!p0 $0x100000, s0  }
0x1b5: {  	[sflag:s0] =	ssyncadd.tile.s32 @!p0 $0x1;
	_ =	shalt  }
.Lfunc_end2:
_tile_overlayer_lowered:
.L_overlay_start_2:
0x1b6: {  	(tag) =	ssettag $0x2  }
0x1b7: {  	s0 =	rddreg [dreg:$0x0];
	s2 =	stileid.u32  }
0x1b8: {  	s1 =	rddreg [dreg:$0x1];
	p0 =	sne.s32 s2, $0x0  }
0x1b9: {  	s3 =	rddreg [dreg:$0x2];
	[bflag:$0x3] =	sbarrier.arrive $0xFFFF;
	s2 =	simm.s32 @!p0 $0x1C02  }
0x1ba: {  	[timem:s3], [sflag:s2] =	dma.local @!p0 [hbm:s0], s1  }
0x1bb: {  	s0 =	simm.s32 @!p0 $0x2  }
0x1bc: {  	_ =	swait.ge @!p0 [sflag:s0], s1  }
0x1bd: {  	s1 =	ssub.s32 @!p0 $0x0, s1;
	[sflag:s0] =	ssyncset.done @!p0 $0x0  }
0x1be: {  	[sflag:s0] =	ssyncadd.s32 @!p0 s1  }
0x1bf: {  	[bflag:$0x3] =	sbarrier.arrive $0xFFFF  }
0x1c0: {  	_ =	shalt  }

</sc_bundles>
